<compile_context>
chip_gen: v7x
topology: tpu7x:2x2x1
jax: 0.10.2.dev20260603
libtpu: 0.0.44.dev20260713+nightly
codegen_flags: <defaults>
</compile_context>

<pallas_src>
import functools
import jax
import jax.numpy as jnp
from jax import lax
from jax.experimental import pallas as pl
from jax.experimental.pallas import tpu as pltpu
from jax.experimental.pallas import tpu_sc as plsc

_EPS = 1e-06


def kernel(points, means, sigmas):
    b, k, l, rank = points.shape
    c = means.shape[2]
    bk = b * k
    stacked = jnp.concatenate(
        [
            points.reshape(bk, l, rank),
            means.reshape(bk, c, rank),
            sigmas.reshape(bk, c, rank),
            jnp.zeros((bk, l, 4), jnp.float32),
        ],
        axis=2,
    )
    slab = stacked.transpose(0, 2, 1)

    mesh = plsc.VectorSubcoreMesh(core_axis_name="c", subcore_axis_name="s")

    @functools.partial(
        pl.kernel,
        mesh=mesh,
        out_type=jax.ShapeDtypeStruct((bk, l, c), jnp.float32),
        scratch_types=[
            pltpu.VMEM((16, 256), jnp.float32),
            pltpu.VMEM((4, 256), jnp.float32),
            pltpu.VMEM((256, 256), jnp.float32),
        ],
    )
    def sck(slab_hbm, out_hbm, slab_v, w_v, out_v):
        wid = lax.axis_index("s") * 2 + lax.axis_index("c")

        def do_tile(t, carry):
            tile = wid * 2 + t
            pltpu.sync_copy(slab_hbm.at[tile], slab_v)
            for r in range(4):
                for kk in range(16):
                    sv = slab_v[8 + r, pl.ds(kk * 16, 16)]
                    w_v[r, pl.ds(kk * 16, 16)] = -0.5 / (_EPS + sv)

            def do_kk(kk, carry2):
                mv = [slab_v[4 + r, pl.ds(kk * 16, 16)] for r in range(4)]
                wv = [w_v[r, pl.ds(kk * 16, 16)] for r in range(4)]

                def do_lg(lg, carry3):
                    xv = [slab_v[r, pl.ds(lg * 16, 16)] for r in range(4)]
                    for j in range(16):
                        acc = None
                        for r in range(4):
                            d = xv[r][j] - mv[r]
                            term = d * d * wv[r]
                            acc = term if acc is None else acc + term
                        out_v[lg * 16 + j, pl.ds(kk * 16, 16)] = jnp.exp(acc)
                    return carry3

                lax.fori_loop(0, 16, do_lg, 0)
                return carry2

            lax.fori_loop(0, 16, do_kk, 0)
            pltpu.sync_copy(out_v, out_hbm.at[tile])
            return carry

        lax.fori_loop(0, bk // 32, do_tile, 0)

    out = sck(slab)
    return out.reshape(b, k, l, c)

# --- scband reference (transcript-rebuilt; emitter-appended) ---
"""Pipeline reference for scband-hyper-layer-22763326669372 (READ-ONLY COPY).

The authoritative reference and input builder live on the scoring server;
editing this copy changes nothing except your own understanding.
"""

import jax, jax.numpy as jnp
import numpy as np

EPSILON = 1e-06


def setup_inputs(seed: int = 0) -> dict:
    key = jax.random.key(seed)
    k1, k2, k3 = jax.random.split(key, 3)
    b, k, l, c, rank = 2, 32, 256, 256, 4
    points = jax.random.normal(k1, (b, k, l, rank), dtype=jnp.float32)
    means = jax.random.normal(k2, (b, k, c, rank), dtype=jnp.float32)
    sigmas = jax.random.uniform(k3, (b, k, c, rank), dtype=jnp.float32)
    return {"points": points, "means": means, "sigmas": sigmas}


def reference(points, means, sigmas):
    # Faithful JAX translation of HyperLayer's core `densities` kernel:
    # unnormalized diagonal-MVN PDFs of `points` under (means, sigmas).
    # Original torch code expands to (b, k, l, c, rank), whitens the
    # residuals, takes the squared norm over rank via bmm, then exp.
    b, k, l, rank = points.shape
    c = means.shape[2]
    pts = points[:, :, :, None, :]            # (b, k, l, 1, rank)
    mns = means[:, :, None, :, :]             # (b, k, 1, c, rank)
    sg = sigmas[:, :, None, :, :]             # (b, k, 1, c, rank)
    sigmas_squared = jnp.sqrt(1.0 / (EPSILON + sg))
    diff = (pts - mns) * sigmas_squared       # (b, k, l, c, rank)
    # bmm of (1, rank) x (rank, 1) == sum of squares over rank
    products = jnp.sum(diff * diff, axis=-1)  # (b, k, l, c)
    num = jnp.exp(-0.5 * products)
    return num

if __name__ == "__main__":
    import jax
    _d = setup_inputs()
    print(jax.jit(kernel)(*tuple(_d.values())))

</pallas_src>

<mosaic_0001>
#map = affine_map<(d0, d1) -> (0, 0, 0)>
module attributes {stable_mosaic.version = 14 : i64} {
  func.func @sck(%arg0: i32, %arg1: i32, %arg2: memref<64x16x256xf32, #tpu.memory_space<hbm>>, %arg3: memref<64x256x256xf32, #tpu.memory_space<hbm>>, %arg4: memref<16x256xf32, #tpu.memory_space<vmem>>, %arg5: memref<4x256xf32, #tpu.memory_space<vmem>>, %arg6: memref<256x256xf32, #tpu.memory_space<vmem>>) attributes {dimension_semantics = [#tpu.dimension_semantics<core_parallel>, #tpu.dimension_semantics<subcore_parallel>], iteration_bounds = array<i64: 2, 16>, scalar_prefetch = 0 : i64, scratch_operands = 3 : i64, tpu.core_type = #tpu.core_type<sc_vector_subcore>, window_params = [{transform_indices = #map}, {transform_indices = #map}]} {
    %mul3A = arith.constant 2 : i32
    %mul3A_0 = arith.muli %arg1, %mul3A : i32
    %add3A = arith.addi %mul3A_0, %arg0 : i32
    %scan3A = arith.constant 0 : i32
    %scan3A_1 = arith.constant 0 : i32
    %scan3A_2 = arith.constant 2 : i32
    %scan3A_3 = arith.addi %scan3A_1, %scan3A_2 : i32
    %scan3A_4 = arith.constant 1 : i32
    scf.for %scan3A_6 = %scan3A_1 to %scan3A_3 step %scan3A_4  : i32 {
      %mul3A_7 = arith.constant 2 : i32
      %mul3A_8 = arith.muli %add3A, %mul3A_7 : i32
      %add3A_9 = arith.addi %mul3A_8, %scan3A_6 : i32
      "tpu.region"() ({
        %run_scoped3A = tpu.sem_alloc : memref<!tpu.dma_semaphore, #tpu.memory_space<semaphore_mem>>
        %dma_start3A = arith.constant 0 : i32
        %dma_start3A_1101 = arith.constant 0 : i32
        %dma_start3A_1102 = tpu.memref_slice %arg2[%add3A_9, %dma_start3A, %dma_start3A_1101] : memref<64x16x256xf32, #tpu.memory_space<hbm>> -> memref<1x16x256xf32, #tpu.memory_space<hbm>>
        %dma_start3A_1103 = tpu.memref_squeeze %dma_start3A_1102 : memref<1x16x256xf32, #tpu.memory_space<hbm>> -> memref<16x256xf32, #tpu.memory_space<hbm>>
        %dma_start3A_1104 = arith.constant 0 : i32
        %dma_start3A_1105 = arith.constant 0 : i32
        %dma_start3A_1106 = tpu.memref_slice %arg2[%add3A_9, %dma_start3A_1104, %dma_start3A_1105] : memref<64x16x256xf32, #tpu.memory_space<hbm>> -> memref<1x16x256xf32, #tpu.memory_space<hbm>>
        %dma_start3A_1107 = tpu.memref_squeeze %dma_start3A_1106 : memref<1x16x256xf32, #tpu.memory_space<hbm>> -> memref<16x256xf32, #tpu.memory_space<hbm>>
        tpu.enqueue_dma source(%dma_start3A_1107 : memref<16x256xf32, #tpu.memory_space<hbm>>) target(%arg4 : memref<16x256xf32, #tpu.memory_space<vmem>>) target_semaphore(%run_scoped3A : memref<!tpu.dma_semaphore, #tpu.memory_space<semaphore_mem>>)
        %dma_wait3A = arith.constant 0 : i32
        %dma_wait3A_1108 = arith.constant 0 : i32
        %dma_wait3A_1109 = tpu.memref_slice %arg2[%add3A_9, %dma_wait3A, %dma_wait3A_1108] : memref<64x16x256xf32, #tpu.memory_space<hbm>> -> memref<1x16x256xf32, #tpu.memory_space<hbm>>
        %dma_wait3A_1110 = tpu.memref_squeeze %dma_wait3A_1109 : memref<1x16x256xf32, #tpu.memory_space<hbm>> -> memref<16x256xf32, #tpu.memory_space<hbm>>
        %dma_wait3A_1111 = arith.constant 0 : i32
        %dma_wait3A_1112 = arith.constant 0 : i32
        %dma_wait3A_1113 = tpu.memref_slice %arg2[%add3A_9, %dma_wait3A_1111, %dma_wait3A_1112] : memref<64x16x256xf32, #tpu.memory_space<hbm>> -> memref<1x16x256xf32, #tpu.memory_space<hbm>>
        %dma_wait3A_1114 = tpu.memref_squeeze %dma_wait3A_1113 : memref<1x16x256xf32, #tpu.memory_space<hbm>> -> memref<16x256xf32, #tpu.memory_space<hbm>>
        tpu.wait_dma2 semaphore(%run_scoped3A : memref<!tpu.dma_semaphore, #tpu.memory_space<semaphore_mem>>) src(%dma_wait3A_1114 : memref<16x256xf32, #tpu.memory_space<hbm>>) dst(%arg4 : memref<16x256xf32, #tpu.memory_space<vmem>>)
        tpu.yield
      }) : () -> ()
      %get3A = arith.constant 8 : i32
      %get3A_10 = arith.index_cast %get3A : i32 to index
      %get3A_11 = arith.constant 0 : index
      %get3A_12 = tpu.vector_load %arg4[%get3A_10, %get3A_11] {strides = array<i32>} : memref<16x256xf32, #tpu.memory_space<vmem>>, vector<1x16xf32>,
      %get3A_13 = vector.shape_cast %get3A_12 : vector<1x16xf32> to vector<16xf32>
      %add3A_14 = arith.constant 9.99999997E-7 : f32
      %add3A_15 = vector.broadcast %add3A_14 : f32 to vector<16xf32>
      %add3A_16 = arith.addf %add3A_15, %get3A_13 : vector<16xf32>
      %div3A = arith.constant -5.000000e-01 : f32
      %div3A_17 = vector.broadcast %div3A : f32 to vector<16xf32>
      %div3A_18 = arith.divf %div3A_17, %add3A_16 : vector<16xf32>
      %swap3A = arith.constant 0 : i32
      %swap3A_19 = arith.index_cast %swap3A : i32 to index
      %swap3A_20 = arith.constant 0 : index
      %swap3A_21 = tpu.vector_load %arg5[%swap3A_19, %swap3A_20] {strides = array<i32>} : memref<4x256xf32, #tpu.memory_space<vmem>>, vector<1x16xf32>,
      %swap3A_22 = vector.shape_cast %swap3A_21 : vector<1x16xf32> to vector<16xf32>
      %swap3A_23 = vector.shape_cast %div3A_18 : vector<16xf32> to vector<1x16xf32>
      tpu.vector_store %arg5[%swap3A_19, %swap3A_20], %swap3A_23 {strides = array<i32>} : memref<4x256xf32, #tpu.memory_space<vmem>>, vector<1x16xf32>,
      %get3A_24 = arith.constant 8 : i32
      %get3A_25 = arith.index_cast %get3A_24 : i32 to index
      %get3A_26 = arith.constant 16 : index
      %get3A_27 = tpu.vector_load %arg4[%get3A_25, %get3A_26] {strides = array<i32>} : memref<16x256xf32, #tpu.memory_space<vmem>>, vector<1x16xf32>,
      %get3A_28 = vector.shape_cast %get3A_27 : vector<1x16xf32> to vector<16xf32>
      %add3A_29 = arith.constant 9.99999997E-7 : f32
      %add3A_30 = vector.broadcast %add3A_29 : f32 to vector<16xf32>
      %add3A_31 = arith.addf %add3A_30, %get3A_28 : vector<16xf32>
      %div3A_32 = arith.constant -5.000000e-01 : f32
      %div3A_33 = vector.broadcast %div3A_32 : f32 to vector<16xf32>
      %div3A_34 = arith.divf %div3A_33, %add3A_31 : vector<16xf32>
      %swap3A_35 = arith.constant 0 : i32
      %swap3A_36 = arith.index_cast %swap3A_35 : i32 to index
      %swap3A_37 = arith.constant 16 : index
      %swap3A_38 = tpu.vector_load %arg5[%swap3A_36, %swap3A_37] {strides = array<i32>} : memref<4x256xf32, #tpu.memory_space<vmem>>, vector<1x16xf32>,
      %swap3A_39 = vector.shape_cast %swap3A_38 : vector<1x16xf32> to vector<16xf32>
      %swap3A_40 = vector.shape_cast %div3A_34 : vector<16xf32> to vector<1x16xf32>
      tpu.vector_store %arg5[%swap3A_36, %swap3A_37], %swap3A_40 {strides = array<i32>} : memref<4x256xf32, #tpu.memory_space<vmem>>, vector<1x16xf32>,
      %get3A_41 = arith.constant 8 : i32
      %get3A_42 = arith.index_cast %get3A_41 : i32 to index
      %get3A_43 = arith.constant 32 : index
      %get3A_44 = tpu.vector_load %arg4[%get3A_42, %get3A_43] {strides = array<i32>} : memref<16x256xf32, #tpu.memory_space<vmem>>, vector<1x16xf32>,
      %get3A_45 = vector.shape_cast %get3A_44 : vector<1x16xf32> to vector<16xf32>
      %add3A_46 = arith.constant 9.99999997E-7 : f32
      %add3A_47 = vector.broadcast %add3A_46 : f32 to vector<16xf32>
      %add3A_48 = arith.addf %add3A_47, %get3A_45 : vector<16xf32>
      %div3A_49 = arith.constant -5.000000e-01 : f32
      %div3A_50 = vector.broadcast %div3A_49 : f32 to vector<16xf32>
      %div3A_51 = arith.divf %div3A_50, %add3A_48 : vector<16xf32>
      %swap3A_52 = arith.constant 0 : i32
      %swap3A_53 = arith.index_cast %swap3A_52 : i32 to index
      %swap3A_54 = arith.constant 32 : index
      %swap3A_55 = tpu.vector_load %arg5[%swap3A_53, %swap3A_54] {strides = array<i32>} : memref<4x256xf32, #tpu.memory_space<vmem>>, vector<1x16xf32>,
      %swap3A_56 = vector.shape_cast %swap3A_55 : vector<1x16xf32> to vector<16xf32>
      %swap3A_57 = vector.shape_cast %div3A_51 : vector<16xf32> to vector<1x16xf32>
      tpu.vector_store %arg5[%swap3A_53, %swap3A_54], %swap3A_57 {strides = array<i32>} : memref<4x256xf32, #tpu.memory_space<vmem>>, vector<1x16xf32>,
      %get3A_58 = arith.constant 8 : i32
      %get3A_59 = arith.index_cast %get3A_58 : i32 to index
      %get3A_60 = arith.constant 48 : index
      %get3A_61 = tpu.vector_load %arg4[%get3A_59, %get3A_60] {strides = array<i32>} : memref<16x256xf32, #tpu.memory_space<vmem>>, vector<1x16xf32>,
      %get3A_62 = vector.shape_cast %get3A_61 : vector<1x16xf32> to vector<16xf32>
      %add3A_63 = arith.constant 9.99999997E-7 : f32
      %add3A_64 = vector.broadcast %add3A_63 : f32 to vector<16xf32>
      %add3A_65 = arith.addf %add3A_64, %get3A_62 : vector<16xf32>
      %div3A_66 = arith.constant -5.000000e-01 : f32
      %div3A_67 = vector.broadcast %div3A_66 : f32 to vector<16xf32>
      %div3A_68 = arith.divf %div3A_67, %add3A_65 : vector<16xf32>
      %swap3A_69 = arith.constant 0 : i32
      %swap3A_70 = arith.index_cast %swap3A_69 : i32 to index
      %swap3A_71 = arith.constant 48 : index
      %swap3A_72 = tpu.vector_load %arg5[%swap3A_70, %swap3A_71] {strides = array<i32>} : memref<4x256xf32, #tpu.memory_space<vmem>>, vector<1x16xf32>,
      %swap3A_73 = vector.shape_cast %swap3A_72 : vector<1x16xf32> to vector<16xf32>
      %swap3A_74 = vector.shape_cast %div3A_68 : vector<16xf32> to vector<1x16xf32>
      tpu.vector_store %arg5[%swap3A_70, %swap3A_71], %swap3A_74 {strides = array<i32>} : memref<4x256xf32, #tpu.memory_space<vmem>>, vector<1x16xf32>,
      %get3A_75 = arith.constant 8 : i32
      %get3A_76 = arith.index_cast %get3A_75 : i32 to index
      %get3A_77 = arith.constant 64 : index
      %get3A_78 = tpu.vector_load %arg4[%get3A_76, %get3A_77] {strides = array<i32>} : memref<16x256xf32, #tpu.memory_space<vmem>>, vector<1x16xf32>,
      %get3A_79 = vector.shape_cast %get3A_78 : vector<1x16xf32> to vector<16xf32>
      %add3A_80 = arith.constant 9.99999997E-7 : f32
      %add3A_81 = vector.broadcast %add3A_80 : f32 to vector<16xf32>
      %add3A_82 = arith.addf %add3A_81, %get3A_79 : vector<16xf32>
      %div3A_83 = arith.constant -5.000000e-01 : f32
      %div3A_84 = vector.broadcast %div3A_83 : f32 to vector<16xf32>
      %div3A_85 = arith.divf %div3A_84, %add3A_82 : vector<16xf32>
      %swap3A_86 = arith.constant 0 : i32
      %swap3A_87 = arith.index_cast %swap3A_86 : i32 to index
      %swap3A_88 = arith.constant 64 : index
      %swap3A_89 = tpu.vector_load %arg5[%swap3A_87, %swap3A_88] {strides = array<i32>} : memref<4x256xf32, #tpu.memory_space<vmem>>, vector<1x16xf32>,
      %swap3A_90 = vector.shape_cast %swap3A_89 : vector<1x16xf32> to vector<16xf32>
      %swap3A_91 = vector.shape_cast %div3A_85 : vector<16xf32> to vector<1x16xf32>
      tpu.vector_store %arg5[%swap3A_87, %swap3A_88], %swap3A_91 {strides = array<i32>} : memref<4x256xf32, #tpu.memory_space<vmem>>, vector<1x16xf32>,
      %get3A_92 = arith.constant 8 : i32
      %get3A_93 = arith.index_cast %get3A_92 : i32 to index
      %get3A_94 = arith.constant 80 : index
      %get3A_95 = tpu.vector_load %arg4[%get3A_93, %get3A_94] {strides = array<i32>} : memref<16x256xf32, #tpu.memory_space<vmem>>, vector<1x16xf32>,
      %get3A_96 = vector.shape_cast %get3A_95 : vector<1x16xf32> to vector<16xf32>
      %add3A_97 = arith.constant 9.99999997E-7 : f32
      %add3A_98 = vector.broadcast %add3A_97 : f32 to vector<16xf32>
      %add3A_99 = arith.addf %add3A_98, %get3A_96 : vector<16xf32>
      %div3A_100 = arith.constant -5.000000e-01 : f32
      %div3A_101 = vector.broadcast %div3A_100 : f32 to vector<16xf32>
      %div3A_102 = arith.divf %div3A_101, %add3A_99 : vector<16xf32>
      %swap3A_103 = arith.constant 0 : i32
      %swap3A_104 = arith.index_cast %swap3A_103 : i32 to index
      %swap3A_105 = arith.constant 80 : index
      %swap3A_106 = tpu.vector_load %arg5[%swap3A_104, %swap3A_105] {strides = array<i32>} : memref<4x256xf32, #tpu.memory_space<vmem>>, vector<1x16xf32>,
      %swap3A_107 = vector.shape_cast %swap3A_106 : vector<1x16xf32> to vector<16xf32>
      %swap3A_108 = vector.shape_cast %div3A_102 : vector<16xf32> to vector<1x16xf32>
      tpu.vector_store %arg5[%swap3A_104, %swap3A_105], %swap3A_108 {strides = array<i32>} : memref<4x256xf32, #tpu.memory_space<vmem>>, vector<1x16xf32>,
      %get3A_109 = arith.constant 8 : i32
      %get3A_110 = arith.index_cast %get3A_109 : i32 to index
      %get3A_111 = arith.constant 96 : index
      %get3A_112 = tpu.vector_load %arg4[%get3A_110, %get3A_111] {strides = array<i32>} : memref<16x256xf32, #tpu.memory_space<vmem>>, vector<1x16xf32>,
      %get3A_113 = vector.shape_cast %get3A_112 : vector<1x16xf32> to vector<16xf32>
      %add3A_114 = arith.constant 9.99999997E-7 : f32
      %add3A_115 = vector.broadcast %add3A_114 : f32 to vector<16xf32>
      %add3A_116 = arith.addf %add3A_115, %get3A_113 : vector<16xf32>
      %div3A_117 = arith.constant -5.000000e-01 : f32
      %div3A_118 = vector.broadcast %div3A_117 : f32 to vector<16xf32>
      %div3A_119 = arith.divf %div3A_118, %add3A_116 : vector<16xf32>
      %swap3A_120 = arith.constant 0 : i32
      %swap3A_121 = arith.index_cast %swap3A_120 : i32 to index
      %swap3A_122 = arith.constant 96 : index
      %swap3A_123 = tpu.vector_load %arg5[%swap3A_121, %swap3A_122] {strides = array<i32>} : memref<4x256xf32, #tpu.memory_space<vmem>>, vector<1x16xf32>,
      %swap3A_124 = vector.shape_cast %swap3A_123 : vector<1x16xf32> to vector<16xf32>
      %swap3A_125 = vector.shape_cast %div3A_119 : vector<16xf32> to vector<1x16xf32>
      tpu.vector_store %arg5[%swap3A_121, %swap3A_122], %swap3A_125 {strides = array<i32>} : memref<4x256xf32, #tpu.memory_space<vmem>>, vector<1x16xf32>,
      %get3A_126 = arith.constant 8 : i32
      %get3A_127 = arith.index_cast %get3A_126 : i32 to index
      %get3A_128 = arith.constant 112 : index
      %get3A_129 = tpu.vector_load %arg4[%get3A_127, %get3A_128] {strides = array<i32>} : memref<16x256xf32, #tpu.memory_space<vmem>>, vector<1x16xf32>,
      %get3A_130 = vector.shape_cast %get3A_129 : vector<1x16xf32> to vector<16xf32>
      %add3A_131 = arith.constant 9.99999997E-7 : f32
      %add3A_132 = vector.broadcast %add3A_131 : f32 to vector<16xf32>
      %add3A_133 = arith.addf %add3A_132, %get3A_130 : vector<16xf32>
      %div3A_134 = arith.constant -5.000000e-01 : f32
      %div3A_135 = vector.broadcast %div3A_134 : f32 to vector<16xf32>
      %div3A_136 = arith.divf %div3A_135, %add3A_133 : vector<16xf32>
      %swap3A_137 = arith.constant 0 : i32
      %swap3A_138 = arith.index_cast %swap3A_137 : i32 to index
      %swap3A_139 = arith.constant 112 : index
      %swap3A_140 = tpu.vector_load %arg5[%swap3A_138, %swap3A_139] {strides = array<i32>} : memref<4x256xf32, #tpu.memory_space<vmem>>, vector<1x16xf32>,
      %swap3A_141 = vector.shape_cast %swap3A_140 : vector<1x16xf32> to vector<16xf32>
      %swap3A_142 = vector.shape_cast %div3A_136 : vector<16xf32> to vector<1x16xf32>
      tpu.vector_store %arg5[%swap3A_138, %swap3A_139], %swap3A_142 {strides = array<i32>} : memref<4x256xf32, #tpu.memory_space<vmem>>, vector<1x16xf32>,
      %get3A_143 = arith.constant 8 : i32
      %get3A_144 = arith.index_cast %get3A_143 : i32 to index
      %get3A_145 = arith.constant 128 : index
      %get3A_146 = tpu.vector_load %arg4[%get3A_144, %get3A_145] {strides = array<i32>} : memref<16x256xf32, #tpu.memory_space<vmem>>, vector<1x16xf32>,
      %get3A_147 = vector.shape_cast %get3A_146 : vector<1x16xf32> to vector<16xf32>
      %add3A_148 = arith.constant 9.99999997E-7 : f32
      %add3A_149 = vector.broadcast %add3A_148 : f32 to vector<16xf32>
      %add3A_150 = arith.addf %add3A_149, %get3A_147 : vector<16xf32>
      %div3A_151 = arith.constant -5.000000e-01 : f32
      %div3A_152 = vector.broadcast %div3A_151 : f32 to vector<16xf32>
      %div3A_153 = arith.divf %div3A_152, %add3A_150 : vector<16xf32>
      %swap3A_154 = arith.constant 0 : i32
      %swap3A_155 = arith.index_cast %swap3A_154 : i32 to index
      %swap3A_156 = arith.constant 128 : index
      %swap3A_157 = tpu.vector_load %arg5[%swap3A_155, %swap3A_156] {strides = array<i32>} : memref<4x256xf32, #tpu.memory_space<vmem>>, vector<1x16xf32>,
      %swap3A_158 = vector.shape_cast %swap3A_157 : vector<1x16xf32> to vector<16xf32>
      %swap3A_159 = vector.shape_cast %div3A_153 : vector<16xf32> to vector<1x16xf32>
      tpu.vector_store %arg5[%swap3A_155, %swap3A_156], %swap3A_159 {strides = array<i32>} : memref<4x256xf32, #tpu.memory_space<vmem>>, vector<1x16xf32>,
      %get3A_160 = arith.constant 8 : i32
      %get3A_161 = arith.index_cast %get3A_160 : i32 to index
      %get3A_162 = arith.constant 144 : index
      %get3A_163 = tpu.vector_load %arg4[%get3A_161, %get3A_162] {strides = array<i32>} : memref<16x256xf32, #tpu.memory_space<vmem>>, vector<1x16xf32>,
      %get3A_164 = vector.shape_cast %get3A_163 : vector<1x16xf32> to vector<16xf32>
      %add3A_165 = arith.constant 9.99999997E-7 : f32
      %add3A_166 = vector.broadcast %add3A_165 : f32 to vector<16xf32>
      %add3A_167 = arith.addf %add3A_166, %get3A_164 : vector<16xf32>
      %div3A_168 = arith.constant -5.000000e-01 : f32
      %div3A_169 = vector.broadcast %div3A_168 : f32 to vector<16xf32>
      %div3A_170 = arith.divf %div3A_169, %add3A_167 : vector<16xf32>
      %swap3A_171 = arith.constant 0 : i32
      %swap3A_172 = arith.index_cast %swap3A_171 : i32 to index
      %swap3A_173 = arith.constant 144 : index
      %swap3A_174 = tpu.vector_load %arg5[%swap3A_172, %swap3A_173] {strides = array<i32>} : memref<4x256xf32, #tpu.memory_space<vmem>>, vector<1x16xf32>,
      %swap3A_175 = vector.shape_cast %swap3A_174 : vector<1x16xf32> to vector<16xf32>
      %swap3A_176 = vector.shape_cast %div3A_170 : vector<16xf32> to vector<1x16xf32>
      tpu.vector_store %arg5[%swap3A_172, %swap3A_173], %swap3A_176 {strides = array<i32>} : memref<4x256xf32, #tpu.memory_space<vmem>>, vector<1x16xf32>,
      %get3A_177 = arith.constant 8 : i32
      %get3A_178 = arith.index_cast %get3A_177 : i32 to index
      %get3A_179 = arith.constant 160 : index
      %get3A_180 = tpu.vector_load %arg4[%get3A_178, %get3A_179] {strides = array<i32>} : memref<16x256xf32, #tpu.memory_space<vmem>>, vector<1x16xf32>,
      %get3A_181 = vector.shape_cast %get3A_180 : vector<1x16xf32> to vector<16xf32>
      %add3A_182 = arith.constant 9.99999997E-7 : f32
      %add3A_183 = vector.broadcast %add3A_182 : f32 to vector<16xf32>
      %add3A_184 = arith.addf %add3A_183, %get3A_181 : vector<16xf32>
      %div3A_185 = arith.constant -5.000000e-01 : f32
      %div3A_186 = vector.broadcast %div3A_185 : f32 to vector<16xf32>
      %div3A_187 = arith.divf %div3A_186, %add3A_184 : vector<16xf32>
      %swap3A_188 = arith.constant 0 : i32
      %swap3A_189 = arith.index_cast %swap3A_188 : i32 to index
      %swap3A_190 = arith.constant 160 : index
      %swap3A_191 = tpu.vector_load %arg5[%swap3A_189, %swap3A_190] {strides = array<i32>} : memref<4x256xf32, #tpu.memory_space<vmem>>, vector<1x16xf32>,
      %swap3A_192 = vector.shape_cast %swap3A_191 : vector<1x16xf32> to vector<16xf32>
      %swap3A_193 = vector.shape_cast %div3A_187 : vector<16xf32> to vector<1x16xf32>
      tpu.vector_store %arg5[%swap3A_189, %swap3A_190], %swap3A_193 {strides = array<i32>} : memref<4x256xf32, #tpu.memory_space<vmem>>, vector<1x16xf32>,
      %get3A_194 = arith.constant 8 : i32
      %get3A_195 = arith.index_cast %get3A_194 : i32 to index
      %get3A_196 = arith.constant 176 : index
      %get3A_197 = tpu.vector_load %arg4[%get3A_195, %get3A_196] {strides = array<i32>} : memref<16x256xf32, #tpu.memory_space<vmem>>, vector<1x16xf32>,
      %get3A_198 = vector.shape_cast %get3A_197 : vector<1x16xf32> to vector<16xf32>
      %add3A_199 = arith.constant 9.99999997E-7 : f32
      %add3A_200 = vector.broadcast %add3A_199 : f32 to vector<16xf32>
      %add3A_201 = arith.addf %add3A_200, %get3A_198 : vector<16xf32>
      %div3A_202 = arith.constant -5.000000e-01 : f32
      %div3A_203 = vector.broadcast %div3A_202 : f32 to vector<16xf32>
      %div3A_204 = arith.divf %div3A_203, %add3A_201 : vector<16xf32>
      %swap3A_205 = arith.constant 0 : i32
      %swap3A_206 = arith.index_cast %swap3A_205 : i32 to index
      %swap3A_207 = arith.constant 176 : index
      %swap3A_208 = tpu.vector_load %arg5[%swap3A_206, %swap3A_207] {strides = array<i32>} : memref<4x256xf32, #tpu.memory_space<vmem>>, vector<1x16xf32>,
      %swap3A_209 = vector.shape_cast %swap3A_208 : vector<1x16xf32> to vector<16xf32>
      %swap3A_210 = vector.shape_cast %div3A_204 : vector<16xf32> to vector<1x16xf32>
      tpu.vector_store %arg5[%swap3A_206, %swap3A_207], %swap3A_210 {strides = array<i32>} : memref<4x256xf32, #tpu.memory_space<vmem>>, vector<1x16xf32>,
      %get3A_211 = arith.constant 8 : i32
      %get3A_212 = arith.index_cast %get3A_211 : i32 to index
      %get3A_213 = arith.constant 192 : index
      %get3A_214 = tpu.vector_load %arg4[%get3A_212, %get3A_213] {strides = array<i32>} : memref<16x256xf32, #tpu.memory_space<vmem>>, vector<1x16xf32>,
      %get3A_215 = vector.shape_cast %get3A_214 : vector<1x16xf32> to vector<16xf32>
      %add3A_216 = arith.constant 9.99999997E-7 : f32
      %add3A_217 = vector.broadcast %add3A_216 : f32 to vector<16xf32>
      %add3A_218 = arith.addf %add3A_217, %get3A_215 : vector<16xf32>
      %div3A_219 = arith.constant -5.000000e-01 : f32
      %div3A_220 = vector.broadcast %div3A_219 : f32 to vector<16xf32>
      %div3A_221 = arith.divf %div3A_220, %add3A_218 : vector<16xf32>
      %swap3A_222 = arith.constant 0 : i32
      %swap3A_223 = arith.index_cast %swap3A_222 : i32 to index
      %swap3A_224 = arith.constant 192 : index
      %swap3A_225 = tpu.vector_load %arg5[%swap3A_223, %swap3A_224] {strides = array<i32>} : memref<4x256xf32, #tpu.memory_space<vmem>>, vector<1x16xf32>,
      %swap3A_226 = vector.shape_cast %swap3A_225 : vector<1x16xf32> to vector<16xf32>
      %swap3A_227 = vector.shape_cast %div3A_221 : vector<16xf32> to vector<1x16xf32>
      tpu.vector_store %arg5[%swap3A_223, %swap3A_224], %swap3A_227 {strides = array<i32>} : memref<4x256xf32, #tpu.memory_space<vmem>>, vector<1x16xf32>,
      %get3A_228 = arith.constant 8 : i32
      %get3A_229 = arith.index_cast %get3A_228 : i32 to index
      %get3A_230 = arith.constant 208 : index
      %get3A_231 = tpu.vector_load %arg4[%get3A_229, %get3A_230] {strides = array<i32>} : memref<16x256xf32, #tpu.memory_space<vmem>>, vector<1x16xf32>,
      %get3A_232 = vector.shape_cast %get3A_231 : vector<1x16xf32> to vector<16xf32>
      %add3A_233 = arith.constant 9.99999997E-7 : f32
      %add3A_234 = vector.broadcast %add3A_233 : f32 to vector<16xf32>
      %add3A_235 = arith.addf %add3A_234, %get3A_232 : vector<16xf32>
      %div3A_236 = arith.constant -5.000000e-01 : f32
      %div3A_237 = vector.broadcast %div3A_236 : f32 to vector<16xf32>
      %div3A_238 = arith.divf %div3A_237, %add3A_235 : vector<16xf32>
      %swap3A_239 = arith.constant 0 : i32
      %swap3A_240 = arith.index_cast %swap3A_239 : i32 to index
      %swap3A_241 = arith.constant 208 : index
      %swap3A_242 = tpu.vector_load %arg5[%swap3A_240, %swap3A_241] {strides = array<i32>} : memref<4x256xf32, #tpu.memory_space<vmem>>, vector<1x16xf32>,
      %swap3A_243 = vector.shape_cast %swap3A_242 : vector<1x16xf32> to vector<16xf32>
      %swap3A_244 = vector.shape_cast %div3A_238 : vector<16xf32> to vector<1x16xf32>
      tpu.vector_store %arg5[%swap3A_240, %swap3A_241], %swap3A_244 {strides = array<i32>} : memref<4x256xf32, #tpu.memory_space<vmem>>, vector<1x16xf32>,
      %get3A_245 = arith.constant 8 : i32
      %get3A_246 = arith.index_cast %get3A_245 : i32 to index
      %get3A_247 = arith.constant 224 : index
      %get3A_248 = tpu.vector_load %arg4[%get3A_246, %get3A_247] {strides = array<i32>} : memref<16x256xf32, #tpu.memory_space<vmem>>, vector<1x16xf32>,
      %get3A_249 = vector.shape_cast %get3A_248 : vector<1x16xf32> to vector<16xf32>
      %add3A_250 = arith.constant 9.99999997E-7 : f32
      %add3A_251 = vector.broadcast %add3A_250 : f32 to vector<16xf32>
      %add3A_252 = arith.addf %add3A_251, %get3A_249 : vector<16xf32>
      %div3A_253 = arith.constant -5.000000e-01 : f32
      %div3A_254 = vector.broadcast %div3A_253 : f32 to vector<16xf32>
      %div3A_255 = arith.divf %div3A_254, %add3A_252 : vector<16xf32>
      %swap3A_256 = arith.constant 0 : i32
      %swap3A_257 = arith.index_cast %swap3A_256 : i32 to index
      %swap3A_258 = arith.constant 224 : index
      %swap3A_259 = tpu.vector_load %arg5[%swap3A_257, %swap3A_258] {strides = array<i32>} : memref<4x256xf32, #tpu.memory_space<vmem>>, vector<1x16xf32>,
      %swap3A_260 = vector.shape_cast %swap3A_259 : vector<1x16xf32> to vector<16xf32>
      %swap3A_261 = vector.shape_cast %div3A_255 : vector<16xf32> to vector<1x16xf32>
      tpu.vector_store %arg5[%swap3A_257, %swap3A_258], %swap3A_261 {strides = array<i32>} : memref<4x256xf32, #tpu.memory_space<vmem>>, vector<1x16xf32>,
      %get3A_262 = arith.constant 8 : i32
      %get3A_263 = arith.index_cast %get3A_262 : i32 to index
      %get3A_264 = arith.constant 240 : index
      %get3A_265 = tpu.vector_load %arg4[%get3A_263, %get3A_264] {strides = array<i32>} : memref<16x256xf32, #tpu.memory_space<vmem>>, vector<1x16xf32>,
      %get3A_266 = vector.shape_cast %get3A_265 : vector<1x16xf32> to vector<16xf32>
      %add3A_267 = arith.constant 9.99999997E-7 : f32
      %add3A_268 = vector.broadcast %add3A_267 : f32 to vector<16xf32>
      %add3A_269 = arith.addf %add3A_268, %get3A_266 : vector<16xf32>
      %div3A_270 = arith.constant -5.000000e-01 : f32
      %div3A_271 = vector.broadcast %div3A_270 : f32 to vector<16xf32>
      %div3A_272 = arith.divf %div3A_271, %add3A_269 : vector<16xf32>
      %swap3A_273 = arith.constant 0 : i32
      %swap3A_274 = arith.index_cast %swap3A_273 : i32 to index
      %swap3A_275 = arith.constant 240 : index
      %swap3A_276 = tpu.vector_load %arg5[%swap3A_274, %swap3A_275] {strides = array<i32>} : memref<4x256xf32, #tpu.memory_space<vmem>>, vector<1x16xf32>,
      %swap3A_277 = vector.shape_cast %swap3A_276 : vector<1x16xf32> to vector<16xf32>
      %swap3A_278 = vector.shape_cast %div3A_272 : vector<16xf32> to vector<1x16xf32>
      tpu.vector_store %arg5[%swap3A_274, %swap3A_275], %swap3A_278 {strides = array<i32>} : memref<4x256xf32, #tpu.memory_space<vmem>>, vector<1x16xf32>,
      %get3A_279 = arith.constant 9 : i32
      %get3A_280 = arith.index_cast %get3A_279 : i32 to index
      %get3A_281 = arith.constant 0 : index
      %get3A_282 = tpu.vector_load %arg4[%get3A_280, %get3A_281] {strides = array<i32>} : memref<16x256xf32, #tpu.memory_space<vmem>>, vector<1x16xf32>,
      %get3A_283 = vector.shape_cast %get3A_282 : vector<1x16xf32> to vector<16xf32>
      %add3A_284 = arith.constant 9.99999997E-7 : f32
      %add3A_285 = vector.broadcast %add3A_284 : f32 to vector<16xf32>
      %add3A_286 = arith.addf %add3A_285, %get3A_283 : vector<16xf32>
      %div3A_287 = arith.constant -5.000000e-01 : f32
      %div3A_288 = vector.broadcast %div3A_287 : f32 to vector<16xf32>
      %div3A_289 = arith.divf %div3A_288, %add3A_286 : vector<16xf32>
      %swap3A_290 = arith.constant 1 : i32
      %swap3A_291 = arith.index_cast %swap3A_290 : i32 to index
      %swap3A_292 = arith.constant 0 : index
      %swap3A_293 = tpu.vector_load %arg5[%swap3A_291, %swap3A_292] {strides = array<i32>} : memref<4x256xf32, #tpu.memory_space<vmem>>, vector<1x16xf32>,
      %swap3A_294 = vector.shape_cast %swap3A_293 : vector<1x16xf32> to vector<16xf32>
      %swap3A_295 = vector.shape_cast %div3A_289 : vector<16xf32> to vector<1x16xf32>
      tpu.vector_store %arg5[%swap3A_291, %swap3A_292], %swap3A_295 {strides = array<i32>} : memref<4x256xf32, #tpu.memory_space<vmem>>, vector<1x16xf32>,
      %get3A_296 = arith.constant 9 : i32
      %get3A_297 = arith.index_cast %get3A_296 : i32 to index
      %get3A_298 = arith.constant 16 : index
      %get3A_299 = tpu.vector_load %arg4[%get3A_297, %get3A_298] {strides = array<i32>} : memref<16x256xf32, #tpu.memory_space<vmem>>, vector<1x16xf32>,
      %get3A_300 = vector.shape_cast %get3A_299 : vector<1x16xf32> to vector<16xf32>
      %add3A_301 = arith.constant 9.99999997E-7 : f32
      %add3A_302 = vector.broadcast %add3A_301 : f32 to vector<16xf32>
      %add3A_303 = arith.addf %add3A_302, %get3A_300 : vector<16xf32>
      %div3A_304 = arith.constant -5.000000e-01 : f32
      %div3A_305 = vector.broadcast %div3A_304 : f32 to vector<16xf32>
      %div3A_306 = arith.divf %div3A_305, %add3A_303 : vector<16xf32>
      %swap3A_307 = arith.constant 1 : i32
      %swap3A_308 = arith.index_cast %swap3A_307 : i32 to index
      %swap3A_309 = arith.constant 16 : index
      %swap3A_310 = tpu.vector_load %arg5[%swap3A_308, %swap3A_309] {strides = array<i32>} : memref<4x256xf32, #tpu.memory_space<vmem>>, vector<1x16xf32>,
      %swap3A_311 = vector.shape_cast %swap3A_310 : vector<1x16xf32> to vector<16xf32>
      %swap3A_312 = vector.shape_cast %div3A_306 : vector<16xf32> to vector<1x16xf32>
      tpu.vector_store %arg5[%swap3A_308, %swap3A_309], %swap3A_312 {strides = array<i32>} : memref<4x256xf32, #tpu.memory_space<vmem>>, vector<1x16xf32>,
      %get3A_313 = arith.constant 9 : i32
      %get3A_314 = arith.index_cast %get3A_313 : i32 to index
      %get3A_315 = arith.constant 32 : index
      %get3A_316 = tpu.vector_load %arg4[%get3A_314, %get3A_315] {strides = array<i32>} : memref<16x256xf32, #tpu.memory_space<vmem>>, vector<1x16xf32>,
      %get3A_317 = vector.shape_cast %get3A_316 : vector<1x16xf32> to vector<16xf32>
      %add3A_318 = arith.constant 9.99999997E-7 : f32
      %add3A_319 = vector.broadcast %add3A_318 : f32 to vector<16xf32>
      %add3A_320 = arith.addf %add3A_319, %get3A_317 : vector<16xf32>
      %div3A_321 = arith.constant -5.000000e-01 : f32
      %div3A_322 = vector.broadcast %div3A_321 : f32 to vector<16xf32>
      %div3A_323 = arith.divf %div3A_322, %add3A_320 : vector<16xf32>
      %swap3A_324 = arith.constant 1 : i32
      %swap3A_325 = arith.index_cast %swap3A_324 : i32 to index
      %swap3A_326 = arith.constant 32 : index
      %swap3A_327 = tpu.vector_load %arg5[%swap3A_325, %swap3A_326] {strides = array<i32>} : memref<4x256xf32, #tpu.memory_space<vmem>>, vector<1x16xf32>,
      %swap3A_328 = vector.shape_cast %swap3A_327 : vector<1x16xf32> to vector<16xf32>
      %swap3A_329 = vector.shape_cast %div3A_323 : vector<16xf32> to vector<1x16xf32>
      tpu.vector_store %arg5[%swap3A_325, %swap3A_326], %swap3A_329 {strides = array<i32>} : memref<4x256xf32, #tpu.memory_space<vmem>>, vector<1x16xf32>,
      %get3A_330 = arith.constant 9 : i32
      %get3A_331 = arith.index_cast %get3A_330 : i32 to index
      %get3A_332 = arith.constant 48 : index
      %get3A_333 = tpu.vector_load %arg4[%get3A_331, %get3A_332] {strides = array<i32>} : memref<16x256xf32, #tpu.memory_space<vmem>>, vector<1x16xf32>,
      %get3A_334 = vector.shape_cast %get3A_333 : vector<1x16xf32> to vector<16xf32>
      %add3A_335 = arith.constant 9.99999997E-7 : f32
      %add3A_336 = vector.broadcast %add3A_335 : f32 to vector<16xf32>
      %add3A_337 = arith.addf %add3A_336, %get3A_334 : vector<16xf32>
      %div3A_338 = arith.constant -5.000000e-01 : f32
      %div3A_339 = vector.broadcast %div3A_338 : f32 to vector<16xf32>
      %div3A_340 = arith.divf %div3A_339, %add3A_337 : vector<16xf32>
      %swap3A_341 = arith.constant 1 : i32
      %swap3A_342 = arith.index_cast %swap3A_341 : i32 to index
      %swap3A_343 = arith.constant 48 : index
      %swap3A_344 = tpu.vector_load %arg5[%swap3A_342, %swap3A_343] {strides = array<i32>} : memref<4x256xf32, #tpu.memory_space<vmem>>, vector<1x16xf32>,
      %swap3A_345 = vector.shape_cast %swap3A_344 : vector<1x16xf32> to vector<16xf32>
      %swap3A_346 = vector.shape_cast %div3A_340 : vector<16xf32> to vector<1x16xf32>
      tpu.vector_store %arg5[%swap3A_342, %swap3A_343], %swap3A_346 {strides = array<i32>} : memref<4x256xf32, #tpu.memory_space<vmem>>, vector<1x16xf32>,
      %get3A_347 = arith.constant 9 : i32
      %get3A_348 = arith.index_cast %get3A_347 : i32 to index
      %get3A_349 = arith.constant 64 : index
      %get3A_350 = tpu.vector_load %arg4[%get3A_348, %get3A_349] {strides = array<i32>} : memref<16x256xf32, #tpu.memory_space<vmem>>, vector<1x16xf32>,
      %get3A_351 = vector.shape_cast %get3A_350 : vector<1x16xf32> to vector<16xf32>
      %add3A_352 = arith.constant 9.99999997E-7 : f32
      %add3A_353 = vector.broadcast %add3A_352 : f32 to vector<16xf32>
      %add3A_354 = arith.addf %add3A_353, %get3A_351 : vector<16xf32>
      %div3A_355 = arith.constant -5.000000e-01 : f32
      %div3A_356 = vector.broadcast %div3A_355 : f32 to vector<16xf32>
      %div3A_357 = arith.divf %div3A_356, %add3A_354 : vector<16xf32>
      %swap3A_358 = arith.constant 1 : i32
      %swap3A_359 = arith.index_cast %swap3A_358 : i32 to index
      %swap3A_360 = arith.constant 64 : index
      %swap3A_361 = tpu.vector_load %arg5[%swap3A_359, %swap3A_360] {strides = array<i32>} : memref<4x256xf32, #tpu.memory_space<vmem>>, vector<1x16xf32>,
      %swap3A_362 = vector.shape_cast %swap3A_361 : vector<1x16xf32> to vector<16xf32>
      %swap3A_363 = vector.shape_cast %div3A_357 : vector<16xf32> to vector<1x16xf32>
      tpu.vector_store %arg5[%swap3A_359, %swap3A_360], %swap3A_363 {strides = array<i32>} : memref<4x256xf32, #tpu.memory_space<vmem>>, vector<1x16xf32>,
      %get3A_364 = arith.constant 9 : i32
      %get3A_365 = arith.index_cast %get3A_364 : i32 to index
      %get3A_366 = arith.constant 80 : index
      %get3A_367 = tpu.vector_load %arg4[%get3A_365, %get3A_366] {strides = array<i32>} : memref<16x256xf32, #tpu.memory_space<vmem>>, vector<1x16xf32>,
      %get3A_368 = vector.shape_cast %get3A_367 : vector<1x16xf32> to vector<16xf32>
      %add3A_369 = arith.constant 9.99999997E-7 : f32
      %add3A_370 = vector.broadcast %add3A_369 : f32 to vector<16xf32>
      %add3A_371 = arith.addf %add3A_370, %get3A_368 : vector<16xf32>
      %div3A_372 = arith.constant -5.000000e-01 : f32
      %div3A_373 = vector.broadcast %div3A_372 : f32 to vector<16xf32>
      %div3A_374 = arith.divf %div3A_373, %add3A_371 : vector<16xf32>
      %swap3A_375 = arith.constant 1 : i32
      %swap3A_376 = arith.index_cast %swap3A_375 : i32 to index
      %swap3A_377 = arith.constant 80 : index
      %swap3A_378 = tpu.vector_load %arg5[%swap3A_376, %swap3A_377] {strides = array<i32>} : memref<4x256xf32, #tpu.memory_space<vmem>>, vector<1x16xf32>,
      %swap3A_379 = vector.shape_cast %swap3A_378 : vector<1x16xf32> to vector<16xf32>
      %swap3A_380 = vector.shape_cast %div3A_374 : vector<16xf32> to vector<1x16xf32>
      tpu.vector_store %arg5[%swap3A_376, %swap3A_377], %swap3A_380 {strides = array<i32>} : memref<4x256xf32, #tpu.memory_space<vmem>>, vector<1x16xf32>,
      %get3A_381 = arith.constant 9 : i32
      %get3A_382 = arith.index_cast %get3A_381 : i32 to index
      %get3A_383 = arith.constant 96 : index
      %get3A_384 = tpu.vector_load %arg4[%get3A_382, %get3A_383] {strides = array<i32>} : memref<16x256xf32, #tpu.memory_space<vmem>>, vector<1x16xf32>,
      %get3A_385 = vector.shape_cast %get3A_384 : vector<1x16xf32> to vector<16xf32>
      %add3A_386 = arith.constant 9.99999997E-7 : f32
      %add3A_387 = vector.broadcast %add3A_386 : f32 to vector<16xf32>
      %add3A_388 = arith.addf %add3A_387, %get3A_385 : vector<16xf32>
      %div3A_389 = arith.constant -5.000000e-01 : f32
      %div3A_390 = vector.broadcast %div3A_389 : f32 to vector<16xf32>
      %div3A_391 = arith.divf %div3A_390, %add3A_388 : vector<16xf32>
      %swap3A_392 = arith.constant 1 : i32
      %swap3A_393 = arith.index_cast %swap3A_392 : i32 to index
      %swap3A_394 = arith.constant 96 : index
      %swap3A_395 = tpu.vector_load %arg5[%swap3A_393, %swap3A_394] {strides = array<i32>} : memref<4x256xf32, #tpu.memory_space<vmem>>, vector<1x16xf32>,
      %swap3A_396 = vector.shape_cast %swap3A_395 : vector<1x16xf32> to vector<16xf32>
      %swap3A_397 = vector.shape_cast %div3A_391 : vector<16xf32> to vector<1x16xf32>
      tpu.vector_store %arg5[%swap3A_393, %swap3A_394], %swap3A_397 {strides = array<i32>} : memref<4x256xf32, #tpu.memory_space<vmem>>, vector<1x16xf32>,
      %get3A_398 = arith.constant 9 : i32
      %get3A_399 = arith.index_cast %get3A_398 : i32 to index
      %get3A_400 = arith.constant 112 : index
      %get3A_401 = tpu.vector_load %arg4[%get3A_399, %get3A_400] {strides = array<i32>} : memref<16x256xf32, #tpu.memory_space<vmem>>, vector<1x16xf32>,
      %get3A_402 = vector.shape_cast %get3A_401 : vector<1x16xf32> to vector<16xf32>
      %add3A_403 = arith.constant 9.99999997E-7 : f32
      %add3A_404 = vector.broadcast %add3A_403 : f32 to vector<16xf32>
      %add3A_405 = arith.addf %add3A_404, %get3A_402 : vector<16xf32>
      %div3A_406 = arith.constant -5.000000e-01 : f32
      %div3A_407 = vector.broadcast %div3A_406 : f32 to vector<16xf32>
      %div3A_408 = arith.divf %div3A_407, %add3A_405 : vector<16xf32>
      %swap3A_409 = arith.constant 1 : i32
      %swap3A_410 = arith.index_cast %swap3A_409 : i32 to index
      %swap3A_411 = arith.constant 112 : index
      %swap3A_412 = tpu.vector_load %arg5[%swap3A_410, %swap3A_411] {strides = array<i32>} : memref<4x256xf32, #tpu.memory_space<vmem>>, vector<1x16xf32>,
      %swap3A_413 = vector.shape_cast %swap3A_412 : vector<1x16xf32> to vector<16xf32>
      %swap3A_414 = vector.shape_cast %div3A_408 : vector<16xf32> to vector<1x16xf32>
      tpu.vector_store %arg5[%swap3A_410, %swap3A_411], %swap3A_414 {strides = array<i32>} : memref<4x256xf32, #tpu.memory_space<vmem>>, vector<1x16xf32>,
      %get3A_415 = arith.constant 9 : i32
      %get3A_416 = arith.index_cast %get3A_415 : i32 to index
      %get3A_417 = arith.constant 128 : index
      %get3A_418 = tpu.vector_load %arg4[%get3A_416, %get3A_417] {strides = array<i32>} : memref<16x256xf32, #tpu.memory_space<vmem>>, vector<1x16xf32>,
      %get3A_419 = vector.shape_cast %get3A_418 : vector<1x16xf32> to vector<16xf32>
      %add3A_420 = arith.constant 9.99999997E-7 : f32
      %add3A_421 = vector.broadcast %add3A_420 : f32 to vector<16xf32>
      %add3A_422 = arith.addf %add3A_421, %get3A_419 : vector<16xf32>
      %div3A_423 = arith.constant -5.000000e-01 : f32
      %div3A_424 = vector.broadcast %div3A_423 : f32 to vector<16xf32>
      %div3A_425 = arith.divf %div3A_424, %add3A_422 : vector<16xf32>
      %swap3A_426 = arith.constant 1 : i32
      %swap3A_427 = arith.index_cast %swap3A_426 : i32 to index
      %swap3A_428 = arith.constant 128 : index
      %swap3A_429 = tpu.vector_load %arg5[%swap3A_427, %swap3A_428] {strides = array<i32>} : memref<4x256xf32, #tpu.memory_space<vmem>>, vector<1x16xf32>,
      %swap3A_430 = vector.shape_cast %swap3A_429 : vector<1x16xf32> to vector<16xf32>
      %swap3A_431 = vector.shape_cast %div3A_425 : vector<16xf32> to vector<1x16xf32>
      tpu.vector_store %arg5[%swap3A_427, %swap3A_428], %swap3A_431 {strides = array<i32>} : memref<4x256xf32, #tpu.memory_space<vmem>>, vector<1x16xf32>,
      %get3A_432 = arith.constant 9 : i32
      %get3A_433 = arith.index_cast %get3A_432 : i32 to index
      %get3A_434 = arith.constant 144 : index
      %get3A_435 = tpu.vector_load %arg4[%get3A_433, %get3A_434] {strides = array<i32>} : memref<16x256xf32, #tpu.memory_space<vmem>>, vector<1x16xf32>,
      %get3A_436 = vector.shape_cast %get3A_435 : vector<1x16xf32> to vector<16xf32>
      %add3A_437 = arith.constant 9.99999997E-7 : f32
      %add3A_438 = vector.broadcast %add3A_437 : f32 to vector<16xf32>
      %add3A_439 = arith.addf %add3A_438, %get3A_436 : vector<16xf32>
      %div3A_440 = arith.constant -5.000000e-01 : f32
      %div3A_441 = vector.broadcast %div3A_440 : f32 to vector<16xf32>
      %div3A_442 = arith.divf %div3A_441, %add3A_439 : vector<16xf32>
      %swap3A_443 = arith.constant 1 : i32
      %swap3A_444 = arith.index_cast %swap3A_443 : i32 to index
      %swap3A_445 = arith.constant 144 : index
      %swap3A_446 = tpu.vector_load %arg5[%swap3A_444, %swap3A_445] {strides = array<i32>} : memref<4x256xf32, #tpu.memory_space<vmem>>, vector<1x16xf32>,
      %swap3A_447 = vector.shape_cast %swap3A_446 : vector<1x16xf32> to vector<16xf32>
      %swap3A_448 = vector.shape_cast %div3A_442 : vector<16xf32> to vector<1x16xf32>
      tpu.vector_store %arg5[%swap3A_444, %swap3A_445], %swap3A_448 {strides = array<i32>} : memref<4x256xf32, #tpu.memory_space<vmem>>, vector<1x16xf32>,
      %get3A_449 = arith.constant 9 : i32
      %get3A_450 = arith.index_cast %get3A_449 : i32 to index
      %get3A_451 = arith.constant 160 : index
      %get3A_452 = tpu.vector_load %arg4[%get3A_450, %get3A_451] {strides = array<i32>} : memref<16x256xf32, #tpu.memory_space<vmem>>, vector<1x16xf32>,
      %get3A_453 = vector.shape_cast %get3A_452 : vector<1x16xf32> to vector<16xf32>
      %add3A_454 = arith.constant 9.99999997E-7 : f32
      %add3A_455 = vector.broadcast %add3A_454 : f32 to vector<16xf32>
      %add3A_456 = arith.addf %add3A_455, %get3A_453 : vector<16xf32>
      %div3A_457 = arith.constant -5.000000e-01 : f32
      %div3A_458 = vector.broadcast %div3A_457 : f32 to vector<16xf32>
      %div3A_459 = arith.divf %div3A_458, %add3A_456 : vector<16xf32>
      %swap3A_460 = arith.constant 1 : i32
      %swap3A_461 = arith.index_cast %swap3A_460 : i32 to index
      %swap3A_462 = arith.constant 160 : index
      %swap3A_463 = tpu.vector_load %arg5[%swap3A_461, %swap3A_462] {strides = array<i32>} : memref<4x256xf32, #tpu.memory_space<vmem>>, vector<1x16xf32>,
      %swap3A_464 = vector.shape_cast %swap3A_463 : vector<1x16xf32> to vector<16xf32>
      %swap3A_465 = vector.shape_cast %div3A_459 : vector<16xf32> to vector<1x16xf32>
      tpu.vector_store %arg5[%swap3A_461, %swap3A_462], %swap3A_465 {strides = array<i32>} : memref<4x256xf32, #tpu.memory_space<vmem>>, vector<1x16xf32>,
      %get3A_466 = arith.constant 9 : i32
      %get3A_467 = arith.index_cast %get3A_466 : i32 to index
      %get3A_468 = arith.constant 176 : index
      %get3A_469 = tpu.vector_load %arg4[%get3A_467, %get3A_468] {strides = array<i32>} : memref<16x256xf32, #tpu.memory_space<vmem>>, vector<1x16xf32>,
      %get3A_470 = vector.shape_cast %get3A_469 : vector<1x16xf32> to vector<16xf32>
      %add3A_471 = arith.constant 9.99999997E-7 : f32
      %add3A_472 = vector.broadcast %add3A_471 : f32 to vector<16xf32>
      %add3A_473 = arith.addf %add3A_472, %get3A_470 : vector<16xf32>
      %div3A_474 = arith.constant -5.000000e-01 : f32
      %div3A_475 = vector.broadcast %div3A_474 : f32 to vector<16xf32>
      %div3A_476 = arith.divf %div3A_475, %add3A_473 : vector<16xf32>
      %swap3A_477 = arith.constant 1 : i32
      %swap3A_478 = arith.index_cast %swap3A_477 : i32 to index
      %swap3A_479 = arith.constant 176 : index
      %swap3A_480 = tpu.vector_load %arg5[%swap3A_478, %swap3A_479] {strides = array<i32>} : memref<4x256xf32, #tpu.memory_space<vmem>>, vector<1x16xf32>,
      %swap3A_481 = vector.shape_cast %swap3A_480 : vector<1x16xf32> to vector<16xf32>
      %swap3A_482 = vector.shape_cast %div3A_476 : vector<16xf32> to vector<1x16xf32>
      tpu.vector_store %arg5[%swap3A_478, %swap3A_479], %swap3A_482 {strides = array<i32>} : memref<4x256xf32, #tpu.memory_space<vmem>>, vector<1x16xf32>,
      %get3A_483 = arith.constant 9 : i32
      %get3A_484 = arith.index_cast %get3A_483 : i32 to index
      %get3A_485 = arith.constant 192 : index
      %get3A_486 = tpu.vector_load %arg4[%get3A_484, %get3A_485] {strides = array<i32>} : memref<16x256xf32, #tpu.memory_space<vmem>>, vector<1x16xf32>,
      %get3A_487 = vector.shape_cast %get3A_486 : vector<1x16xf32> to vector<16xf32>
      %add3A_488 = arith.constant 9.99999997E-7 : f32
      %add3A_489 = vector.broadcast %add3A_488 : f32 to vector<16xf32>
      %add3A_490 = arith.addf %add3A_489, %get3A_487 : vector<16xf32>
      %div3A_491 = arith.constant -5.000000e-01 : f32
      %div3A_492 = vector.broadcast %div3A_491 : f32 to vector<16xf32>
      %div3A_493 = arith.divf %div3A_492, %add3A_490 : vector<16xf32>
      %swap3A_494 = arith.constant 1 : i32
      %swap3A_495 = arith.index_cast %swap3A_494 : i32 to index
      %swap3A_496 = arith.constant 192 : index
      %swap3A_497 = tpu.vector_load %arg5[%swap3A_495, %swap3A_496] {strides = array<i32>} : memref<4x256xf32, #tpu.memory_space<vmem>>, vector<1x16xf32>,
      %swap3A_498 = vector.shape_cast %swap3A_497 : vector<1x16xf32> to vector<16xf32>
      %swap3A_499 = vector.shape_cast %div3A_493 : vector<16xf32> to vector<1x16xf32>
      tpu.vector_store %arg5[%swap3A_495, %swap3A_496], %swap3A_499 {strides = array<i32>} : memref<4x256xf32, #tpu.memory_space<vmem>>, vector<1x16xf32>,
      %get3A_500 = arith.constant 9 : i32
      %get3A_501 = arith.index_cast %get3A_500 : i32 to index
      %get3A_502 = arith.constant 208 : index
      %get3A_503 = tpu.vector_load %arg4[%get3A_501, %get3A_502] {strides = array<i32>} : memref<16x256xf32, #tpu.memory_space<vmem>>, vector<1x16xf32>,
      %get3A_504 = vector.shape_cast %get3A_503 : vector<1x16xf32> to vector<16xf32>
      %add3A_505 = arith.constant 9.99999997E-7 : f32
      %add3A_506 = vector.broadcast %add3A_505 : f32 to vector<16xf32>
      %add3A_507 = arith.addf %add3A_506, %get3A_504 : vector<16xf32>
      %div3A_508 = arith.constant -5.000000e-01 : f32
      %div3A_509 = vector.broadcast %div3A_508 : f32 to vector<16xf32>
      %div3A_510 = arith.divf %div3A_509, %add3A_507 : vector<16xf32>
      %swap3A_511 = arith.constant 1 : i32
      %swap3A_512 = arith.index_cast %swap3A_511 : i32 to index
      %swap3A_513 = arith.constant 208 : index
      %swap3A_514 = tpu.vector_load %arg5[%swap3A_512, %swap3A_513] {strides = array<i32>} : memref<4x256xf32, #tpu.memory_space<vmem>>, vector<1x16xf32>,
      %swap3A_515 = vector.shape_cast %swap3A_514 : vector<1x16xf32> to vector<16xf32>
      %swap3A_516 = vector.shape_cast %div3A_510 : vector<16xf32> to vector<1x16xf32>
      tpu.vector_store %arg5[%swap3A_512, %swap3A_513], %swap3A_516 {strides = array<i32>} : memref<4x256xf32, #tpu.memory_space<vmem>>, vector<1x16xf32>,
      %get3A_517 = arith.constant 9 : i32
      %get3A_518 = arith.index_cast %get3A_517 : i32 to index
      %get3A_519 = arith.constant 224 : index
      %get3A_520 = tpu.vector_load %arg4[%get3A_518, %get3A_519] {strides = array<i32>} : memref<16x256xf32, #tpu.memory_space<vmem>>, vector<1x16xf32>,
      %get3A_521 = vector.shape_cast %get3A_520 : vector<1x16xf32> to vector<16xf32>
      %add3A_522 = arith.constant 9.99999997E-7 : f32
      %add3A_523 = vector.broadcast %add3A_522 : f32 to vector<16xf32>
      %add3A_524 = arith.addf %add3A_523, %get3A_521 : vector<16xf32>
      %div3A_525 = arith.constant -5.000000e-01 : f32
      %div3A_526 = vector.broadcast %div3A_525 : f32 to vector<16xf32>
      %div3A_527 = arith.divf %div3A_526, %add3A_524 : vector<16xf32>
      %swap3A_528 = arith.constant 1 : i32
      %swap3A_529 = arith.index_cast %swap3A_528 : i32 to index
      %swap3A_530 = arith.constant 224 : index
      %swap3A_531 = tpu.vector_load %arg5[%swap3A_529, %swap3A_530] {strides = array<i32>} : memref<4x256xf32, #tpu.memory_space<vmem>>, vector<1x16xf32>,
      %swap3A_532 = vector.shape_cast %swap3A_531 : vector<1x16xf32> to vector<16xf32>
      %swap3A_533 = vector.shape_cast %div3A_527 : vector<16xf32> to vector<1x16xf32>
      tpu.vector_store %arg5[%swap3A_529, %swap3A_530], %swap3A_533 {strides = array<i32>} : memref<4x256xf32, #tpu.memory_space<vmem>>, vector<1x16xf32>,
      %get3A_534 = arith.constant 9 : i32
      %get3A_535 = arith.index_cast %get3A_534 : i32 to index
      %get3A_536 = arith.constant 240 : index
      %get3A_537 = tpu.vector_load %arg4[%get3A_535, %get3A_536] {strides = array<i32>} : memref<16x256xf32, #tpu.memory_space<vmem>>, vector<1x16xf32>,
      %get3A_538 = vector.shape_cast %get3A_537 : vector<1x16xf32> to vector<16xf32>
      %add3A_539 = arith.constant 9.99999997E-7 : f32
      %add3A_540 = vector.broadcast %add3A_539 : f32 to vector<16xf32>
      %add3A_541 = arith.addf %add3A_540, %get3A_538 : vector<16xf32>
      %div3A_542 = arith.constant -5.000000e-01 : f32
      %div3A_543 = vector.broadcast %div3A_542 : f32 to vector<16xf32>
      %div3A_544 = arith.divf %div3A_543, %add3A_541 : vector<16xf32>
      %swap3A_545 = arith.constant 1 : i32
      %swap3A_546 = arith.index_cast %swap3A_545 : i32 to index
      %swap3A_547 = arith.constant 240 : index
      %swap3A_548 = tpu.vector_load %arg5[%swap3A_546, %swap3A_547] {strides = array<i32>} : memref<4x256xf32, #tpu.memory_space<vmem>>, vector<1x16xf32>,
      %swap3A_549 = vector.shape_cast %swap3A_548 : vector<1x16xf32> to vector<16xf32>
      %swap3A_550 = vector.shape_cast %div3A_544 : vector<16xf32> to vector<1x16xf32>
      tpu.vector_store %arg5[%swap3A_546, %swap3A_547], %swap3A_550 {strides = array<i32>} : memref<4x256xf32, #tpu.memory_space<vmem>>, vector<1x16xf32>,
      %get3A_551 = arith.constant 10 : i32
      %get3A_552 = arith.index_cast %get3A_551 : i32 to index
      %get3A_553 = arith.constant 0 : index
      %get3A_554 = tpu.vector_load %arg4[%get3A_552, %get3A_553] {strides = array<i32>} : memref<16x256xf32, #tpu.memory_space<vmem>>, vector<1x16xf32>,
      %get3A_555 = vector.shape_cast %get3A_554 : vector<1x16xf32> to vector<16xf32>
      %add3A_556 = arith.constant 9.99999997E-7 : f32
      %add3A_557 = vector.broadcast %add3A_556 : f32 to vector<16xf32>
      %add3A_558 = arith.addf %add3A_557, %get3A_555 : vector<16xf32>
      %div3A_559 = arith.constant -5.000000e-01 : f32
      %div3A_560 = vector.broadcast %div3A_559 : f32 to vector<16xf32>
      %div3A_561 = arith.divf %div3A_560, %add3A_558 : vector<16xf32>
      %swap3A_562 = arith.constant 2 : i32
      %swap3A_563 = arith.index_cast %swap3A_562 : i32 to index
      %swap3A_564 = arith.constant 0 : index
      %swap3A_565 = tpu.vector_load %arg5[%swap3A_563, %swap3A_564] {strides = array<i32>} : memref<4x256xf32, #tpu.memory_space<vmem>>, vector<1x16xf32>,
      %swap3A_566 = vector.shape_cast %swap3A_565 : vector<1x16xf32> to vector<16xf32>
      %swap3A_567 = vector.shape_cast %div3A_561 : vector<16xf32> to vector<1x16xf32>
      tpu.vector_store %arg5[%swap3A_563, %swap3A_564], %swap3A_567 {strides = array<i32>} : memref<4x256xf32, #tpu.memory_space<vmem>>, vector<1x16xf32>,
      %get3A_568 = arith.constant 10 : i32
      %get3A_569 = arith.index_cast %get3A_568 : i32 to index
      %get3A_570 = arith.constant 16 : index
      %get3A_571 = tpu.vector_load %arg4[%get3A_569, %get3A_570] {strides = array<i32>} : memref<16x256xf32, #tpu.memory_space<vmem>>, vector<1x16xf32>,
      %get3A_572 = vector.shape_cast %get3A_571 : vector<1x16xf32> to vector<16xf32>
      %add3A_573 = arith.constant 9.99999997E-7 : f32
      %add3A_574 = vector.broadcast %add3A_573 : f32 to vector<16xf32>
      %add3A_575 = arith.addf %add3A_574, %get3A_572 : vector<16xf32>
      %div3A_576 = arith.constant -5.000000e-01 : f32
      %div3A_577 = vector.broadcast %div3A_576 : f32 to vector<16xf32>
      %div3A_578 = arith.divf %div3A_577, %add3A_575 : vector<16xf32>
      %swap3A_579 = arith.constant 2 : i32
      %swap3A_580 = arith.index_cast %swap3A_579 : i32 to index
      %swap3A_581 = arith.constant 16 : index
      %swap3A_582 = tpu.vector_load %arg5[%swap3A_580, %swap3A_581] {strides = array<i32>} : memref<4x256xf32, #tpu.memory_space<vmem>>, vector<1x16xf32>,
      %swap3A_583 = vector.shape_cast %swap3A_582 : vector<1x16xf32> to vector<16xf32>
      %swap3A_584 = vector.shape_cast %div3A_578 : vector<16xf32> to vector<1x16xf32>
      tpu.vector_store %arg5[%swap3A_580, %swap3A_581], %swap3A_584 {strides = array<i32>} : memref<4x256xf32, #tpu.memory_space<vmem>>, vector<1x16xf32>,
      %get3A_585 = arith.constant 10 : i32
      %get3A_586 = arith.index_cast %get3A_585 : i32 to index
      %get3A_587 = arith.constant 32 : index
      %get3A_588 = tpu.vector_load %arg4[%get3A_586, %get3A_587] {strides = array<i32>} : memref<16x256xf32, #tpu.memory_space<vmem>>, vector<1x16xf32>,
      %get3A_589 = vector.shape_cast %get3A_588 : vector<1x16xf32> to vector<16xf32>
      %add3A_590 = arith.constant 9.99999997E-7 : f32
      %add3A_591 = vector.broadcast %add3A_590 : f32 to vector<16xf32>
      %add3A_592 = arith.addf %add3A_591, %get3A_589 : vector<16xf32>
      %div3A_593 = arith.constant -5.000000e-01 : f32
      %div3A_594 = vector.broadcast %div3A_593 : f32 to vector<16xf32>
      %div3A_595 = arith.divf %div3A_594, %add3A_592 : vector<16xf32>
      %swap3A_596 = arith.constant 2 : i32
      %swap3A_597 = arith.index_cast %swap3A_596 : i32 to index
      %swap3A_598 = arith.constant 32 : index
      %swap3A_599 = tpu.vector_load %arg5[%swap3A_597, %swap3A_598] {strides = array<i32>} : memref<4x256xf32, #tpu.memory_space<vmem>>, vector<1x16xf32>,
      %swap3A_600 = vector.shape_cast %swap3A_599 : vector<1x16xf32> to vector<16xf32>
      %swap3A_601 = vector.shape_cast %div3A_595 : vector<16xf32> to vector<1x16xf32>
      tpu.vector_store %arg5[%swap3A_597, %swap3A_598], %swap3A_601 {strides = array<i32>} : memref<4x256xf32, #tpu.memory_space<vmem>>, vector<1x16xf32>,
      %get3A_602 = arith.constant 10 : i32
      %get3A_603 = arith.index_cast %get3A_602 : i32 to index
      %get3A_604 = arith.constant 48 : index
      %get3A_605 = tpu.vector_load %arg4[%get3A_603, %get3A_604] {strides = array<i32>} : memref<16x256xf32, #tpu.memory_space<vmem>>, vector<1x16xf32>,
      %get3A_606 = vector.shape_cast %get3A_605 : vector<1x16xf32> to vector<16xf32>
      %add3A_607 = arith.constant 9.99999997E-7 : f32
      %add3A_608 = vector.broadcast %add3A_607 : f32 to vector<16xf32>
      %add3A_609 = arith.addf %add3A_608, %get3A_606 : vector<16xf32>
      %div3A_610 = arith.constant -5.000000e-01 : f32
      %div3A_611 = vector.broadcast %div3A_610 : f32 to vector<16xf32>
      %div3A_612 = arith.divf %div3A_611, %add3A_609 : vector<16xf32>
      %swap3A_613 = arith.constant 2 : i32
      %swap3A_614 = arith.index_cast %swap3A_613 : i32 to index
      %swap3A_615 = arith.constant 48 : index
      %swap3A_616 = tpu.vector_load %arg5[%swap3A_614, %swap3A_615] {strides = array<i32>} : memref<4x256xf32, #tpu.memory_space<vmem>>, vector<1x16xf32>,
      %swap3A_617 = vector.shape_cast %swap3A_616 : vector<1x16xf32> to vector<16xf32>
      %swap3A_618 = vector.shape_cast %div3A_612 : vector<16xf32> to vector<1x16xf32>
      tpu.vector_store %arg5[%swap3A_614, %swap3A_615], %swap3A_618 {strides = array<i32>} : memref<4x256xf32, #tpu.memory_space<vmem>>, vector<1x16xf32>,
      %get3A_619 = arith.constant 10 : i32
      %get3A_620 = arith.index_cast %get3A_619 : i32 to index
      %get3A_621 = arith.constant 64 : index
      %get3A_622 = tpu.vector_load %arg4[%get3A_620, %get3A_621] {strides = array<i32>} : memref<16x256xf32, #tpu.memory_space<vmem>>, vector<1x16xf32>,
      %get3A_623 = vector.shape_cast %get3A_622 : vector<1x16xf32> to vector<16xf32>
      %add3A_624 = arith.constant 9.99999997E-7 : f32
      %add3A_625 = vector.broadcast %add3A_624 : f32 to vector<16xf32>
      %add3A_626 = arith.addf %add3A_625, %get3A_623 : vector<16xf32>
      %div3A_627 = arith.constant -5.000000e-01 : f32
      %div3A_628 = vector.broadcast %div3A_627 : f32 to vector<16xf32>
      %div3A_629 = arith.divf %div3A_628, %add3A_626 : vector<16xf32>
      %swap3A_630 = arith.constant 2 : i32
      %swap3A_631 = arith.index_cast %swap3A_630 : i32 to index
      %swap3A_632 = arith.constant 64 : index
      %swap3A_633 = tpu.vector_load %arg5[%swap3A_631, %swap3A_632] {strides = array<i32>} : memref<4x256xf32, #tpu.memory_space<vmem>>, vector<1x16xf32>,
      %swap3A_634 = vector.shape_cast %swap3A_633 : vector<1x16xf32> to vector<16xf32>
      %swap3A_635 = vector.shape_cast %div3A_629 : vector<16xf32> to vector<1x16xf32>
      tpu.vector_store %arg5[%swap3A_631, %swap3A_632], %swap3A_635 {strides = array<i32>} : memref<4x256xf32, #tpu.memory_space<vmem>>, vector<1x16xf32>,
      %get3A_636 = arith.constant 10 : i32
      %get3A_637 = arith.index_cast %get3A_636 : i32 to index
      %get3A_638 = arith.constant 80 : index
      %get3A_639 = tpu.vector_load %arg4[%get3A_637, %get3A_638] {strides = array<i32>} : memref<16x256xf32, #tpu.memory_space<vmem>>, vector<1x16xf32>,
      %get3A_640 = vector.shape_cast %get3A_639 : vector<1x16xf32> to vector<16xf32>
      %add3A_641 = arith.constant 9.99999997E-7 : f32
      %add3A_642 = vector.broadcast %add3A_641 : f32 to vector<16xf32>
      %add3A_643 = arith.addf %add3A_642, %get3A_640 : vector<16xf32>
      %div3A_644 = arith.constant -5.000000e-01 : f32
      %div3A_645 = vector.broadcast %div3A_644 : f32 to vector<16xf32>
      %div3A_646 = arith.divf %div3A_645, %add3A_643 : vector<16xf32>
      %swap3A_647 = arith.constant 2 : i32
      %swap3A_648 = arith.index_cast %swap3A_647 : i32 to index
      %swap3A_649 = arith.constant 80 : index
      %swap3A_650 = tpu.vector_load %arg5[%swap3A_648, %swap3A_649] {strides = array<i32>} : memref<4x256xf32, #tpu.memory_space<vmem>>, vector<1x16xf32>,
      %swap3A_651 = vector.shape_cast %swap3A_650 : vector<1x16xf32> to vector<16xf32>
      %swap3A_652 = vector.shape_cast %div3A_646 : vector<16xf32> to vector<1x16xf32>
      tpu.vector_store %arg5[%swap3A_648, %swap3A_649], %swap3A_652 {strides = array<i32>} : memref<4x256xf32, #tpu.memory_space<vmem>>, vector<1x16xf32>,
      %get3A_653 = arith.constant 10 : i32
      %get3A_654 = arith.index_cast %get3A_653 : i32 to index
      %get3A_655 = arith.constant 96 : index
      %get3A_656 = tpu.vector_load %arg4[%get3A_654, %get3A_655] {strides = array<i32>} : memref<16x256xf32, #tpu.memory_space<vmem>>, vector<1x16xf32>,
      %get3A_657 = vector.shape_cast %get3A_656 : vector<1x16xf32> to vector<16xf32>
      %add3A_658 = arith.constant 9.99999997E-7 : f32
      %add3A_659 = vector.broadcast %add3A_658 : f32 to vector<16xf32>
      %add3A_660 = arith.addf %add3A_659, %get3A_657 : vector<16xf32>
      %div3A_661 = arith.constant -5.000000e-01 : f32
      %div3A_662 = vector.broadcast %div3A_661 : f32 to vector<16xf32>
      %div3A_663 = arith.divf %div3A_662, %add3A_660 : vector<16xf32>
      %swap3A_664 = arith.constant 2 : i32
      %swap3A_665 = arith.index_cast %swap3A_664 : i32 to index
      %swap3A_666 = arith.constant 96 : index
      %swap3A_667 = tpu.vector_load %arg5[%swap3A_665, %swap3A_666] {strides = array<i32>} : memref<4x256xf32, #tpu.memory_space<vmem>>, vector<1x16xf32>,
      %swap3A_668 = vector.shape_cast %swap3A_667 : vector<1x16xf32> to vector<16xf32>
      %swap3A_669 = vector.shape_cast %div3A_663 : vector<16xf32> to vector<1x16xf32>
      tpu.vector_store %arg5[%swap3A_665, %swap3A_666], %swap3A_669 {strides = array<i32>} : memref<4x256xf32, #tpu.memory_space<vmem>>, vector<1x16xf32>,
      %get3A_670 = arith.constant 10 : i32
      %get3A_671 = arith.index_cast %get3A_670 : i32 to index
      %get3A_672 = arith.constant 112 : index
      %get3A_673 = tpu.vector_load %arg4[%get3A_671, %get3A_672] {strides = array<i32>} : memref<16x256xf32, #tpu.memory_space<vmem>>, vector<1x16xf32>,
      %get3A_674 = vector.shape_cast %get3A_673 : vector<1x16xf32> to vector<16xf32>
      %add3A_675 = arith.constant 9.99999997E-7 : f32
      %add3A_676 = vector.broadcast %add3A_675 : f32 to vector<16xf32>
      %add3A_677 = arith.addf %add3A_676, %get3A_674 : vector<16xf32>
      %div3A_678 = arith.constant -5.000000e-01 : f32
      %div3A_679 = vector.broadcast %div3A_678 : f32 to vector<16xf32>
      %div3A_680 = arith.divf %div3A_679, %add3A_677 : vector<16xf32>
      %swap3A_681 = arith.constant 2 : i32
      %swap3A_682 = arith.index_cast %swap3A_681 : i32 to index
      %swap3A_683 = arith.constant 112 : index
      %swap3A_684 = tpu.vector_load %arg5[%swap3A_682, %swap3A_683] {strides = array<i32>} : memref<4x256xf32, #tpu.memory_space<vmem>>, vector<1x16xf32>,
      %swap3A_685 = vector.shape_cast %swap3A_684 : vector<1x16xf32> to vector<16xf32>
      %swap3A_686 = vector.shape_cast %div3A_680 : vector<16xf32> to vector<1x16xf32>
      tpu.vector_store %arg5[%swap3A_682, %swap3A_683], %swap3A_686 {strides = array<i32>} : memref<4x256xf32, #tpu.memory_space<vmem>>, vector<1x16xf32>,
      %get3A_687 = arith.constant 10 : i32
      %get3A_688 = arith.index_cast %get3A_687 : i32 to index
      %get3A_689 = arith.constant 128 : index
      %get3A_690 = tpu.vector_load %arg4[%get3A_688, %get3A_689] {strides = array<i32>} : memref<16x256xf32, #tpu.memory_space<vmem>>, vector<1x16xf32>,
      %get3A_691 = vector.shape_cast %get3A_690 : vector<1x16xf32> to vector<16xf32>
      %add3A_692 = arith.constant 9.99999997E-7 : f32
      %add3A_693 = vector.broadcast %add3A_692 : f32 to vector<16xf32>
      %add3A_694 = arith.addf %add3A_693, %get3A_691 : vector<16xf32>
      %div3A_695 = arith.constant -5.000000e-01 : f32
      %div3A_696 = vector.broadcast %div3A_695 : f32 to vector<16xf32>
      %div3A_697 = arith.divf %div3A_696, %add3A_694 : vector<16xf32>
      %swap3A_698 = arith.constant 2 : i32
      %swap3A_699 = arith.index_cast %swap3A_698 : i32 to index
      %swap3A_700 = arith.constant 128 : index
      %swap3A_701 = tpu.vector_load %arg5[%swap3A_699, %swap3A_700] {strides = array<i32>} : memref<4x256xf32, #tpu.memory_space<vmem>>, vector<1x16xf32>,
      %swap3A_702 = vector.shape_cast %swap3A_701 : vector<1x16xf32> to vector<16xf32>
      %swap3A_703 = vector.shape_cast %div3A_697 : vector<16xf32> to vector<1x16xf32>
      tpu.vector_store %arg5[%swap3A_699, %swap3A_700], %swap3A_703 {strides = array<i32>} : memref<4x256xf32, #tpu.memory_space<vmem>>, vector<1x16xf32>,
      %get3A_704 = arith.constant 10 : i32
      %get3A_705 = arith.index_cast %get3A_704 : i32 to index
      %get3A_706 = arith.constant 144 : index
      %get3A_707 = tpu.vector_load %arg4[%get3A_705, %get3A_706] {strides = array<i32>} : memref<16x256xf32, #tpu.memory_space<vmem>>, vector<1x16xf32>,
      %get3A_708 = vector.shape_cast %get3A_707 : vector<1x16xf32> to vector<16xf32>
      %add3A_709 = arith.constant 9.99999997E-7 : f32
      %add3A_710 = vector.broadcast %add3A_709 : f32 to vector<16xf32>
      %add3A_711 = arith.addf %add3A_710, %get3A_708 : vector<16xf32>
      %div3A_712 = arith.constant -5.000000e-01 : f32
      %div3A_713 = vector.broadcast %div3A_712 : f32 to vector<16xf32>
      %div3A_714 = arith.divf %div3A_713, %add3A_711 : vector<16xf32>
      %swap3A_715 = arith.constant 2 : i32
      %swap3A_716 = arith.index_cast %swap3A_715 : i32 to index
      %swap3A_717 = arith.constant 144 : index
      %swap3A_718 = tpu.vector_load %arg5[%swap3A_716, %swap3A_717] {strides = array<i32>} : memref<4x256xf32, #tpu.memory_space<vmem>>, vector<1x16xf32>,
      %swap3A_719 = vector.shape_cast %swap3A_718 : vector<1x16xf32> to vector<16xf32>
      %swap3A_720 = vector.shape_cast %div3A_714 : vector<16xf32> to vector<1x16xf32>
      tpu.vector_store %arg5[%swap3A_716, %swap3A_717], %swap3A_720 {strides = array<i32>} : memref<4x256xf32, #tpu.memory_space<vmem>>, vector<1x16xf32>,
      %get3A_721 = arith.constant 10 : i32
      %get3A_722 = arith.index_cast %get3A_721 : i32 to index
      %get3A_723 = arith.constant 160 : index
      %get3A_724 = tpu.vector_load %arg4[%get3A_722, %get3A_723] {strides = array<i32>} : memref<16x256xf32, #tpu.memory_space<vmem>>, vector<1x16xf32>,
      %get3A_725 = vector.shape_cast %get3A_724 : vector<1x16xf32> to vector<16xf32>
      %add3A_726 = arith.constant 9.99999997E-7 : f32
      %add3A_727 = vector.broadcast %add3A_726 : f32 to vector<16xf32>
      %add3A_728 = arith.addf %add3A_727, %get3A_725 : vector<16xf32>
      %div3A_729 = arith.constant -5.000000e-01 : f32
      %div3A_730 = vector.broadcast %div3A_729 : f32 to vector<16xf32>
      %div3A_731 = arith.divf %div3A_730, %add3A_728 : vector<16xf32>
      %swap3A_732 = arith.constant 2 : i32
      %swap3A_733 = arith.index_cast %swap3A_732 : i32 to index
      %swap3A_734 = arith.constant 160 : index
      %swap3A_735 = tpu.vector_load %arg5[%swap3A_733, %swap3A_734] {strides = array<i32>} : memref<4x256xf32, #tpu.memory_space<vmem>>, vector<1x16xf32>,
      %swap3A_736 = vector.shape_cast %swap3A_735 : vector<1x16xf32> to vector<16xf32>
      %swap3A_737 = vector.shape_cast %div3A_731 : vector<16xf32> to vector<1x16xf32>
      tpu.vector_store %arg5[%swap3A_733, %swap3A_734], %swap3A_737 {strides = array<i32>} : memref<4x256xf32, #tpu.memory_space<vmem>>, vector<1x16xf32>,
      %get3A_738 = arith.constant 10 : i32
      %get3A_739 = arith.index_cast %get3A_738 : i32 to index
      %get3A_740 = arith.constant 176 : index
      %get3A_741 = tpu.vector_load %arg4[%get3A_739, %get3A_740] {strides = array<i32>} : memref<16x256xf32, #tpu.memory_space<vmem>>, vector<1x16xf32>,
      %get3A_742 = vector.shape_cast %get3A_741 : vector<1x16xf32> to vector<16xf32>
      %add3A_743 = arith.constant 9.99999997E-7 : f32
      %add3A_744 = vector.broadcast %add3A_743 : f32 to vector<16xf32>
      %add3A_745 = arith.addf %add3A_744, %get3A_742 : vector<16xf32>
      %div3A_746 = arith.constant -5.000000e-01 : f32
      %div3A_747 = vector.broadcast %div3A_746 : f32 to vector<16xf32>
      %div3A_748 = arith.divf %div3A_747, %add3A_745 : vector<16xf32>
      %swap3A_749 = arith.constant 2 : i32
      %swap3A_750 = arith.index_cast %swap3A_749 : i32 to index
      %swap3A_751 = arith.constant 176 : index
      %swap3A_752 = tpu.vector_load %arg5[%swap3A_750, %swap3A_751] {strides = array<i32>} : memref<4x256xf32, #tpu.memory_space<vmem>>, vector<1x16xf32>,
      %swap3A_753 = vector.shape_cast %swap3A_752 : vector<1x16xf32> to vector<16xf32>
      %swap3A_754 = vector.shape_cast %div3A_748 : vector<16xf32> to vector<1x16xf32>
      tpu.vector_store %arg5[%swap3A_750, %swap3A_751], %swap3A_754 {strides = array<i32>} : memref<4x256xf32, #tpu.memory_space<vmem>>, vector<1x16xf32>,
      %get3A_755 = arith.constant 10 : i32
      %get3A_756 = arith.index_cast %get3A_755 : i32 to index
      %get3A_757 = arith.constant 192 : index
      %get3A_758 = tpu.vector_load %arg4[%get3A_756, %get3A_757] {strides = array<i32>} : memref<16x256xf32, #tpu.memory_space<vmem>>, vector<1x16xf32>,
      %get3A_759 = vector.shape_cast %get3A_758 : vector<1x16xf32> to vector<16xf32>
      %add3A_760 = arith.constant 9.99999997E-7 : f32
      %add3A_761 = vector.broadcast %add3A_760 : f32 to vector<16xf32>
      %add3A_762 = arith.addf %add3A_761, %get3A_759 : vector<16xf32>
      %div3A_763 = arith.constant -5.000000e-01 : f32
      %div3A_764 = vector.broadcast %div3A_763 : f32 to vector<16xf32>
      %div3A_765 = arith.divf %div3A_764, %add3A_762 : vector<16xf32>
      %swap3A_766 = arith.constant 2 : i32
      %swap3A_767 = arith.index_cast %swap3A_766 : i32 to index
      %swap3A_768 = arith.constant 192 : index
      %swap3A_769 = tpu.vector_load %arg5[%swap3A_767, %swap3A_768] {strides = array<i32>} : memref<4x256xf32, #tpu.memory_space<vmem>>, vector<1x16xf32>,
      %swap3A_770 = vector.shape_cast %swap3A_769 : vector<1x16xf32> to vector<16xf32>
      %swap3A_771 = vector.shape_cast %div3A_765 : vector<16xf32> to vector<1x16xf32>
      tpu.vector_store %arg5[%swap3A_767, %swap3A_768], %swap3A_771 {strides = array<i32>} : memref<4x256xf32, #tpu.memory_space<vmem>>, vector<1x16xf32>,
      %get3A_772 = arith.constant 10 : i32
      %get3A_773 = arith.index_cast %get3A_772 : i32 to index
      %get3A_774 = arith.constant 208 : index
      %get3A_775 = tpu.vector_load %arg4[%get3A_773, %get3A_774] {strides = array<i32>} : memref<16x256xf32, #tpu.memory_space<vmem>>, vector<1x16xf32>,
      %get3A_776 = vector.shape_cast %get3A_775 : vector<1x16xf32> to vector<16xf32>
      %add3A_777 = arith.constant 9.99999997E-7 : f32
      %add3A_778 = vector.broadcast %add3A_777 : f32 to vector<16xf32>
      %add3A_779 = arith.addf %add3A_778, %get3A_776 : vector<16xf32>
      %div3A_780 = arith.constant -5.000000e-01 : f32
      %div3A_781 = vector.broadcast %div3A_780 : f32 to vector<16xf32>
      %div3A_782 = arith.divf %div3A_781, %add3A_779 : vector<16xf32>
      %swap3A_783 = arith.constant 2 : i32
      %swap3A_784 = arith.index_cast %swap3A_783 : i32 to index
      %swap3A_785 = arith.constant 208 : index
      %swap3A_786 = tpu.vector_load %arg5[%swap3A_784, %swap3A_785] {strides = array<i32>} : memref<4x256xf32, #tpu.memory_space<vmem>>, vector<1x16xf32>,
      %swap3A_787 = vector.shape_cast %swap3A_786 : vector<1x16xf32> to vector<16xf32>
      %swap3A_788 = vector.shape_cast %div3A_782 : vector<16xf32> to vector<1x16xf32>
      tpu.vector_store %arg5[%swap3A_784, %swap3A_785], %swap3A_788 {strides = array<i32>} : memref<4x256xf32, #tpu.memory_space<vmem>>, vector<1x16xf32>,
      %get3A_789 = arith.constant 10 : i32
      %get3A_790 = arith.index_cast %get3A_789 : i32 to index
      %get3A_791 = arith.constant 224 : index
      %get3A_792 = tpu.vector_load %arg4[%get3A_790, %get3A_791] {strides = array<i32>} : memref<16x256xf32, #tpu.memory_space<vmem>>, vector<1x16xf32>,
      %get3A_793 = vector.shape_cast %get3A_792 : vector<1x16xf32> to vector<16xf32>
      %add3A_794 = arith.constant 9.99999997E-7 : f32
      %add3A_795 = vector.broadcast %add3A_794 : f32 to vector<16xf32>
      %add3A_796 = arith.addf %add3A_795, %get3A_793 : vector<16xf32>
      %div3A_797 = arith.constant -5.000000e-01 : f32
      %div3A_798 = vector.broadcast %div3A_797 : f32 to vector<16xf32>
      %div3A_799 = arith.divf %div3A_798, %add3A_796 : vector<16xf32>
      %swap3A_800 = arith.constant 2 : i32
      %swap3A_801 = arith.index_cast %swap3A_800 : i32 to index
      %swap3A_802 = arith.constant 224 : index
      %swap3A_803 = tpu.vector_load %arg5[%swap3A_801, %swap3A_802] {strides = array<i32>} : memref<4x256xf32, #tpu.memory_space<vmem>>, vector<1x16xf32>,
      %swap3A_804 = vector.shape_cast %swap3A_803 : vector<1x16xf32> to vector<16xf32>
      %swap3A_805 = vector.shape_cast %div3A_799 : vector<16xf32> to vector<1x16xf32>
      tpu.vector_store %arg5[%swap3A_801, %swap3A_802], %swap3A_805 {strides = array<i32>} : memref<4x256xf32, #tpu.memory_space<vmem>>, vector<1x16xf32>,
      %get3A_806 = arith.constant 10 : i32
      %get3A_807 = arith.index_cast %get3A_806 : i32 to index
      %get3A_808 = arith.constant 240 : index
      %get3A_809 = tpu.vector_load %arg4[%get3A_807, %get3A_808] {strides = array<i32>} : memref<16x256xf32, #tpu.memory_space<vmem>>, vector<1x16xf32>,
      %get3A_810 = vector.shape_cast %get3A_809 : vector<1x16xf32> to vector<16xf32>
      %add3A_811 = arith.constant 9.99999997E-7 : f32
      %add3A_812 = vector.broadcast %add3A_811 : f32 to vector<16xf32>
      %add3A_813 = arith.addf %add3A_812, %get3A_810 : vector<16xf32>
      %div3A_814 = arith.constant -5.000000e-01 : f32
      %div3A_815 = vector.broadcast %div3A_814 : f32 to vector<16xf32>
      %div3A_816 = arith.divf %div3A_815, %add3A_813 : vector<16xf32>
      %swap3A_817 = arith.constant 2 : i32
      %swap3A_818 = arith.index_cast %swap3A_817 : i32 to index
      %swap3A_819 = arith.constant 240 : index
      %swap3A_820 = tpu.vector_load %arg5[%swap3A_818, %swap3A_819] {strides = array<i32>} : memref<4x256xf32, #tpu.memory_space<vmem>>, vector<1x16xf32>,
      %swap3A_821 = vector.shape_cast %swap3A_820 : vector<1x16xf32> to vector<16xf32>
      %swap3A_822 = vector.shape_cast %div3A_816 : vector<16xf32> to vector<1x16xf32>
      tpu.vector_store %arg5[%swap3A_818, %swap3A_819], %swap3A_822 {strides = array<i32>} : memref<4x256xf32, #tpu.memory_space<vmem>>, vector<1x16xf32>,
      %get3A_823 = arith.constant 11 : i32
      %get3A_824 = arith.index_cast %get3A_823 : i32 to index
      %get3A_825 = arith.constant 0 : index
      %get3A_826 = tpu.vector_load %arg4[%get3A_824, %get3A_825] {strides = array<i32>} : memref<16x256xf32, #tpu.memory_space<vmem>>, vector<1x16xf32>,
      %get3A_827 = vector.shape_cast %get3A_826 : vector<1x16xf32> to vector<16xf32>
      %add3A_828 = arith.constant 9.99999997E-7 : f32
      %add3A_829 = vector.broadcast %add3A_828 : f32 to vector<16xf32>
      %add3A_830 = arith.addf %add3A_829, %get3A_827 : vector<16xf32>
      %div3A_831 = arith.constant -5.000000e-01 : f32
      %div3A_832 = vector.broadcast %div3A_831 : f32 to vector<16xf32>
      %div3A_833 = arith.divf %div3A_832, %add3A_830 : vector<16xf32>
      %swap3A_834 = arith.constant 3 : i32
      %swap3A_835 = arith.index_cast %swap3A_834 : i32 to index
      %swap3A_836 = arith.constant 0 : index
      %swap3A_837 = tpu.vector_load %arg5[%swap3A_835, %swap3A_836] {strides = array<i32>} : memref<4x256xf32, #tpu.memory_space<vmem>>, vector<1x16xf32>,
      %swap3A_838 = vector.shape_cast %swap3A_837 : vector<1x16xf32> to vector<16xf32>
      %swap3A_839 = vector.shape_cast %div3A_833 : vector<16xf32> to vector<1x16xf32>
      tpu.vector_store %arg5[%swap3A_835, %swap3A_836], %swap3A_839 {strides = array<i32>} : memref<4x256xf32, #tpu.memory_space<vmem>>, vector<1x16xf32>,
      %get3A_840 = arith.constant 11 : i32
      %get3A_841 = arith.index_cast %get3A_840 : i32 to index
      %get3A_842 = arith.constant 16 : index
      %get3A_843 = tpu.vector_load %arg4[%get3A_841, %get3A_842] {strides = array<i32>} : memref<16x256xf32, #tpu.memory_space<vmem>>, vector<1x16xf32>,
      %get3A_844 = vector.shape_cast %get3A_843 : vector<1x16xf32> to vector<16xf32>
      %add3A_845 = arith.constant 9.99999997E-7 : f32
      %add3A_846 = vector.broadcast %add3A_845 : f32 to vector<16xf32>
      %add3A_847 = arith.addf %add3A_846, %get3A_844 : vector<16xf32>
      %div3A_848 = arith.constant -5.000000e-01 : f32
      %div3A_849 = vector.broadcast %div3A_848 : f32 to vector<16xf32>
      %div3A_850 = arith.divf %div3A_849, %add3A_847 : vector<16xf32>
      %swap3A_851 = arith.constant 3 : i32
      %swap3A_852 = arith.index_cast %swap3A_851 : i32 to index
      %swap3A_853 = arith.constant 16 : index
      %swap3A_854 = tpu.vector_load %arg5[%swap3A_852, %swap3A_853] {strides = array<i32>} : memref<4x256xf32, #tpu.memory_space<vmem>>, vector<1x16xf32>,
      %swap3A_855 = vector.shape_cast %swap3A_854 : vector<1x16xf32> to vector<16xf32>
      %swap3A_856 = vector.shape_cast %div3A_850 : vector<16xf32> to vector<1x16xf32>
      tpu.vector_store %arg5[%swap3A_852, %swap3A_853], %swap3A_856 {strides = array<i32>} : memref<4x256xf32, #tpu.memory_space<vmem>>, vector<1x16xf32>,
      %get3A_857 = arith.constant 11 : i32
      %get3A_858 = arith.index_cast %get3A_857 : i32 to index
      %get3A_859 = arith.constant 32 : index
      %get3A_860 = tpu.vector_load %arg4[%get3A_858, %get3A_859] {strides = array<i32>} : memref<16x256xf32, #tpu.memory_space<vmem>>, vector<1x16xf32>,
      %get3A_861 = vector.shape_cast %get3A_860 : vector<1x16xf32> to vector<16xf32>
      %add3A_862 = arith.constant 9.99999997E-7 : f32
      %add3A_863 = vector.broadcast %add3A_862 : f32 to vector<16xf32>
      %add3A_864 = arith.addf %add3A_863, %get3A_861 : vector<16xf32>
      %div3A_865 = arith.constant -5.000000e-01 : f32
      %div3A_866 = vector.broadcast %div3A_865 : f32 to vector<16xf32>
      %div3A_867 = arith.divf %div3A_866, %add3A_864 : vector<16xf32>
      %swap3A_868 = arith.constant 3 : i32
      %swap3A_869 = arith.index_cast %swap3A_868 : i32 to index
      %swap3A_870 = arith.constant 32 : index
      %swap3A_871 = tpu.vector_load %arg5[%swap3A_869, %swap3A_870] {strides = array<i32>} : memref<4x256xf32, #tpu.memory_space<vmem>>, vector<1x16xf32>,
      %swap3A_872 = vector.shape_cast %swap3A_871 : vector<1x16xf32> to vector<16xf32>
      %swap3A_873 = vector.shape_cast %div3A_867 : vector<16xf32> to vector<1x16xf32>
      tpu.vector_store %arg5[%swap3A_869, %swap3A_870], %swap3A_873 {strides = array<i32>} : memref<4x256xf32, #tpu.memory_space<vmem>>, vector<1x16xf32>,
      %get3A_874 = arith.constant 11 : i32
      %get3A_875 = arith.index_cast %get3A_874 : i32 to index
      %get3A_876 = arith.constant 48 : index
      %get3A_877 = tpu.vector_load %arg4[%get3A_875, %get3A_876] {strides = array<i32>} : memref<16x256xf32, #tpu.memory_space<vmem>>, vector<1x16xf32>,
      %get3A_878 = vector.shape_cast %get3A_877 : vector<1x16xf32> to vector<16xf32>
      %add3A_879 = arith.constant 9.99999997E-7 : f32
      %add3A_880 = vector.broadcast %add3A_879 : f32 to vector<16xf32>
      %add3A_881 = arith.addf %add3A_880, %get3A_878 : vector<16xf32>
      %div3A_882 = arith.constant -5.000000e-01 : f32
      %div3A_883 = vector.broadcast %div3A_882 : f32 to vector<16xf32>
      %div3A_884 = arith.divf %div3A_883, %add3A_881 : vector<16xf32>
      %swap3A_885 = arith.constant 3 : i32
      %swap3A_886 = arith.index_cast %swap3A_885 : i32 to index
      %swap3A_887 = arith.constant 48 : index
      %swap3A_888 = tpu.vector_load %arg5[%swap3A_886, %swap3A_887] {strides = array<i32>} : memref<4x256xf32, #tpu.memory_space<vmem>>, vector<1x16xf32>,
      %swap3A_889 = vector.shape_cast %swap3A_888 : vector<1x16xf32> to vector<16xf32>
      %swap3A_890 = vector.shape_cast %div3A_884 : vector<16xf32> to vector<1x16xf32>
      tpu.vector_store %arg5[%swap3A_886, %swap3A_887], %swap3A_890 {strides = array<i32>} : memref<4x256xf32, #tpu.memory_space<vmem>>, vector<1x16xf32>,
      %get3A_891 = arith.constant 11 : i32
      %get3A_892 = arith.index_cast %get3A_891 : i32 to index
      %get3A_893 = arith.constant 64 : index
      %get3A_894 = tpu.vector_load %arg4[%get3A_892, %get3A_893] {strides = array<i32>} : memref<16x256xf32, #tpu.memory_space<vmem>>, vector<1x16xf32>,
      %get3A_895 = vector.shape_cast %get3A_894 : vector<1x16xf32> to vector<16xf32>
      %add3A_896 = arith.constant 9.99999997E-7 : f32
      %add3A_897 = vector.broadcast %add3A_896 : f32 to vector<16xf32>
      %add3A_898 = arith.addf %add3A_897, %get3A_895 : vector<16xf32>
      %div3A_899 = arith.constant -5.000000e-01 : f32
      %div3A_900 = vector.broadcast %div3A_899 : f32 to vector<16xf32>
      %div3A_901 = arith.divf %div3A_900, %add3A_898 : vector<16xf32>
      %swap3A_902 = arith.constant 3 : i32
      %swap3A_903 = arith.index_cast %swap3A_902 : i32 to index
      %swap3A_904 = arith.constant 64 : index
      %swap3A_905 = tpu.vector_load %arg5[%swap3A_903, %swap3A_904] {strides = array<i32>} : memref<4x256xf32, #tpu.memory_space<vmem>>, vector<1x16xf32>,
      %swap3A_906 = vector.shape_cast %swap3A_905 : vector<1x16xf32> to vector<16xf32>
      %swap3A_907 = vector.shape_cast %div3A_901 : vector<16xf32> to vector<1x16xf32>
      tpu.vector_store %arg5[%swap3A_903, %swap3A_904], %swap3A_907 {strides = array<i32>} : memref<4x256xf32, #tpu.memory_space<vmem>>, vector<1x16xf32>,
      %get3A_908 = arith.constant 11 : i32
      %get3A_909 = arith.index_cast %get3A_908 : i32 to index
      %get3A_910 = arith.constant 80 : index
      %get3A_911 = tpu.vector_load %arg4[%get3A_909, %get3A_910] {strides = array<i32>} : memref<16x256xf32, #tpu.memory_space<vmem>>, vector<1x16xf32>,
      %get3A_912 = vector.shape_cast %get3A_911 : vector<1x16xf32> to vector<16xf32>
      %add3A_913 = arith.constant 9.99999997E-7 : f32
      %add3A_914 = vector.broadcast %add3A_913 : f32 to vector<16xf32>
      %add3A_915 = arith.addf %add3A_914, %get3A_912 : vector<16xf32>
      %div3A_916 = arith.constant -5.000000e-01 : f32
      %div3A_917 = vector.broadcast %div3A_916 : f32 to vector<16xf32>
      %div3A_918 = arith.divf %div3A_917, %add3A_915 : vector<16xf32>
      %swap3A_919 = arith.constant 3 : i32
      %swap3A_920 = arith.index_cast %swap3A_919 : i32 to index
      %swap3A_921 = arith.constant 80 : index
      %swap3A_922 = tpu.vector_load %arg5[%swap3A_920, %swap3A_921] {strides = array<i32>} : memref<4x256xf32, #tpu.memory_space<vmem>>, vector<1x16xf32>,
      %swap3A_923 = vector.shape_cast %swap3A_922 : vector<1x16xf32> to vector<16xf32>
      %swap3A_924 = vector.shape_cast %div3A_918 : vector<16xf32> to vector<1x16xf32>
      tpu.vector_store %arg5[%swap3A_920, %swap3A_921], %swap3A_924 {strides = array<i32>} : memref<4x256xf32, #tpu.memory_space<vmem>>, vector<1x16xf32>,
      %get3A_925 = arith.constant 11 : i32
      %get3A_926 = arith.index_cast %get3A_925 : i32 to index
      %get3A_927 = arith.constant 96 : index
      %get3A_928 = tpu.vector_load %arg4[%get3A_926, %get3A_927] {strides = array<i32>} : memref<16x256xf32, #tpu.memory_space<vmem>>, vector<1x16xf32>,
      %get3A_929 = vector.shape_cast %get3A_928 : vector<1x16xf32> to vector<16xf32>
      %add3A_930 = arith.constant 9.99999997E-7 : f32
      %add3A_931 = vector.broadcast %add3A_930 : f32 to vector<16xf32>
      %add3A_932 = arith.addf %add3A_931, %get3A_929 : vector<16xf32>
      %div3A_933 = arith.constant -5.000000e-01 : f32
      %div3A_934 = vector.broadcast %div3A_933 : f32 to vector<16xf32>
      %div3A_935 = arith.divf %div3A_934, %add3A_932 : vector<16xf32>
      %swap3A_936 = arith.constant 3 : i32
      %swap3A_937 = arith.index_cast %swap3A_936 : i32 to index
      %swap3A_938 = arith.constant 96 : index
      %swap3A_939 = tpu.vector_load %arg5[%swap3A_937, %swap3A_938] {strides = array<i32>} : memref<4x256xf32, #tpu.memory_space<vmem>>, vector<1x16xf32>,
      %swap3A_940 = vector.shape_cast %swap3A_939 : vector<1x16xf32> to vector<16xf32>
      %swap3A_941 = vector.shape_cast %div3A_935 : vector<16xf32> to vector<1x16xf32>
      tpu.vector_store %arg5[%swap3A_937, %swap3A_938], %swap3A_941 {strides = array<i32>} : memref<4x256xf32, #tpu.memory_space<vmem>>, vector<1x16xf32>,
      %get3A_942 = arith.constant 11 : i32
      %get3A_943 = arith.index_cast %get3A_942 : i32 to index
      %get3A_944 = arith.constant 112 : index
      %get3A_945 = tpu.vector_load %arg4[%get3A_943, %get3A_944] {strides = array<i32>} : memref<16x256xf32, #tpu.memory_space<vmem>>, vector<1x16xf32>,
      %get3A_946 = vector.shape_cast %get3A_945 : vector<1x16xf32> to vector<16xf32>
      %add3A_947 = arith.constant 9.99999997E-7 : f32
      %add3A_948 = vector.broadcast %add3A_947 : f32 to vector<16xf32>
      %add3A_949 = arith.addf %add3A_948, %get3A_946 : vector<16xf32>
      %div3A_950 = arith.constant -5.000000e-01 : f32
      %div3A_951 = vector.broadcast %div3A_950 : f32 to vector<16xf32>
      %div3A_952 = arith.divf %div3A_951, %add3A_949 : vector<16xf32>
      %swap3A_953 = arith.constant 3 : i32
      %swap3A_954 = arith.index_cast %swap3A_953 : i32 to index
      %swap3A_955 = arith.constant 112 : index
      %swap3A_956 = tpu.vector_load %arg5[%swap3A_954, %swap3A_955] {strides = array<i32>} : memref<4x256xf32, #tpu.memory_space<vmem>>, vector<1x16xf32>,
      %swap3A_957 = vector.shape_cast %swap3A_956 : vector<1x16xf32> to vector<16xf32>
      %swap3A_958 = vector.shape_cast %div3A_952 : vector<16xf32> to vector<1x16xf32>
      tpu.vector_store %arg5[%swap3A_954, %swap3A_955], %swap3A_958 {strides = array<i32>} : memref<4x256xf32, #tpu.memory_space<vmem>>, vector<1x16xf32>,
      %get3A_959 = arith.constant 11 : i32
      %get3A_960 = arith.index_cast %get3A_959 : i32 to index
      %get3A_961 = arith.constant 128 : index
      %get3A_962 = tpu.vector_load %arg4[%get3A_960, %get3A_961] {strides = array<i32>} : memref<16x256xf32, #tpu.memory_space<vmem>>, vector<1x16xf32>,
      %get3A_963 = vector.shape_cast %get3A_962 : vector<1x16xf32> to vector<16xf32>
      %add3A_964 = arith.constant 9.99999997E-7 : f32
      %add3A_965 = vector.broadcast %add3A_964 : f32 to vector<16xf32>
      %add3A_966 = arith.addf %add3A_965, %get3A_963 : vector<16xf32>
      %div3A_967 = arith.constant -5.000000e-01 : f32
      %div3A_968 = vector.broadcast %div3A_967 : f32 to vector<16xf32>
      %div3A_969 = arith.divf %div3A_968, %add3A_966 : vector<16xf32>
      %swap3A_970 = arith.constant 3 : i32
      %swap3A_971 = arith.index_cast %swap3A_970 : i32 to index
      %swap3A_972 = arith.constant 128 : index
      %swap3A_973 = tpu.vector_load %arg5[%swap3A_971, %swap3A_972] {strides = array<i32>} : memref<4x256xf32, #tpu.memory_space<vmem>>, vector<1x16xf32>,
      %swap3A_974 = vector.shape_cast %swap3A_973 : vector<1x16xf32> to vector<16xf32>
      %swap3A_975 = vector.shape_cast %div3A_969 : vector<16xf32> to vector<1x16xf32>
      tpu.vector_store %arg5[%swap3A_971, %swap3A_972], %swap3A_975 {strides = array<i32>} : memref<4x256xf32, #tpu.memory_space<vmem>>, vector<1x16xf32>,
      %get3A_976 = arith.constant 11 : i32
      %get3A_977 = arith.index_cast %get3A_976 : i32 to index
      %get3A_978 = arith.constant 144 : index
      %get3A_979 = tpu.vector_load %arg4[%get3A_977, %get3A_978] {strides = array<i32>} : memref<16x256xf32, #tpu.memory_space<vmem>>, vector<1x16xf32>,
      %get3A_980 = vector.shape_cast %get3A_979 : vector<1x16xf32> to vector<16xf32>
      %add3A_981 = arith.constant 9.99999997E-7 : f32
      %add3A_982 = vector.broadcast %add3A_981 : f32 to vector<16xf32>
      %add3A_983 = arith.addf %add3A_982, %get3A_980 : vector<16xf32>
      %div3A_984 = arith.constant -5.000000e-01 : f32
      %div3A_985 = vector.broadcast %div3A_984 : f32 to vector<16xf32>
      %div3A_986 = arith.divf %div3A_985, %add3A_983 : vector<16xf32>
      %swap3A_987 = arith.constant 3 : i32
      %swap3A_988 = arith.index_cast %swap3A_987 : i32 to index
      %swap3A_989 = arith.constant 144 : index
      %swap3A_990 = tpu.vector_load %arg5[%swap3A_988, %swap3A_989] {strides = array<i32>} : memref<4x256xf32, #tpu.memory_space<vmem>>, vector<1x16xf32>,
      %swap3A_991 = vector.shape_cast %swap3A_990 : vector<1x16xf32> to vector<16xf32>
      %swap3A_992 = vector.shape_cast %div3A_986 : vector<16xf32> to vector<1x16xf32>
      tpu.vector_store %arg5[%swap3A_988, %swap3A_989], %swap3A_992 {strides = array<i32>} : memref<4x256xf32, #tpu.memory_space<vmem>>, vector<1x16xf32>,
      %get3A_993 = arith.constant 11 : i32
      %get3A_994 = arith.index_cast %get3A_993 : i32 to index
      %get3A_995 = arith.constant 160 : index
      %get3A_996 = tpu.vector_load %arg4[%get3A_994, %get3A_995] {strides = array<i32>} : memref<16x256xf32, #tpu.memory_space<vmem>>, vector<1x16xf32>,
      %get3A_997 = vector.shape_cast %get3A_996 : vector<1x16xf32> to vector<16xf32>
      %add3A_998 = arith.constant 9.99999997E-7 : f32
      %add3A_999 = vector.broadcast %add3A_998 : f32 to vector<16xf32>
      %add3A_1000 = arith.addf %add3A_999, %get3A_997 : vector<16xf32>
      %div3A_1001 = arith.constant -5.000000e-01 : f32
      %div3A_1002 = vector.broadcast %div3A_1001 : f32 to vector<16xf32>
      %div3A_1003 = arith.divf %div3A_1002, %add3A_1000 : vector<16xf32>
      %swap3A_1004 = arith.constant 3 : i32
      %swap3A_1005 = arith.index_cast %swap3A_1004 : i32 to index
      %swap3A_1006 = arith.constant 160 : index
      %swap3A_1007 = tpu.vector_load %arg5[%swap3A_1005, %swap3A_1006] {strides = array<i32>} : memref<4x256xf32, #tpu.memory_space<vmem>>, vector<1x16xf32>,
      %swap3A_1008 = vector.shape_cast %swap3A_1007 : vector<1x16xf32> to vector<16xf32>
      %swap3A_1009 = vector.shape_cast %div3A_1003 : vector<16xf32> to vector<1x16xf32>
      tpu.vector_store %arg5[%swap3A_1005, %swap3A_1006], %swap3A_1009 {strides = array<i32>} : memref<4x256xf32, #tpu.memory_space<vmem>>, vector<1x16xf32>,
      %get3A_1010 = arith.constant 11 : i32
      %get3A_1011 = arith.index_cast %get3A_1010 : i32 to index
      %get3A_1012 = arith.constant 176 : index
      %get3A_1013 = tpu.vector_load %arg4[%get3A_1011, %get3A_1012] {strides = array<i32>} : memref<16x256xf32, #tpu.memory_space<vmem>>, vector<1x16xf32>,
      %get3A_1014 = vector.shape_cast %get3A_1013 : vector<1x16xf32> to vector<16xf32>
      %add3A_1015 = arith.constant 9.99999997E-7 : f32
      %add3A_1016 = vector.broadcast %add3A_1015 : f32 to vector<16xf32>
      %add3A_1017 = arith.addf %add3A_1016, %get3A_1014 : vector<16xf32>
      %div3A_1018 = arith.constant -5.000000e-01 : f32
      %div3A_1019 = vector.broadcast %div3A_1018 : f32 to vector<16xf32>
      %div3A_1020 = arith.divf %div3A_1019, %add3A_1017 : vector<16xf32>
      %swap3A_1021 = arith.constant 3 : i32
      %swap3A_1022 = arith.index_cast %swap3A_1021 : i32 to index
      %swap3A_1023 = arith.constant 176 : index
      %swap3A_1024 = tpu.vector_load %arg5[%swap3A_1022, %swap3A_1023] {strides = array<i32>} : memref<4x256xf32, #tpu.memory_space<vmem>>, vector<1x16xf32>,
      %swap3A_1025 = vector.shape_cast %swap3A_1024 : vector<1x16xf32> to vector<16xf32>
      %swap3A_1026 = vector.shape_cast %div3A_1020 : vector<16xf32> to vector<1x16xf32>
      tpu.vector_store %arg5[%swap3A_1022, %swap3A_1023], %swap3A_1026 {strides = array<i32>} : memref<4x256xf32, #tpu.memory_space<vmem>>, vector<1x16xf32>,
      %get3A_1027 = arith.constant 11 : i32
      %get3A_1028 = arith.index_cast %get3A_1027 : i32 to index
      %get3A_1029 = arith.constant 192 : index
      %get3A_1030 = tpu.vector_load %arg4[%get3A_1028, %get3A_1029] {strides = array<i32>} : memref<16x256xf32, #tpu.memory_space<vmem>>, vector<1x16xf32>,
      %get3A_1031 = vector.shape_cast %get3A_1030 : vector<1x16xf32> to vector<16xf32>
      %add3A_1032 = arith.constant 9.99999997E-7 : f32
      %add3A_1033 = vector.broadcast %add3A_1032 : f32 to vector<16xf32>
      %add3A_1034 = arith.addf %add3A_1033, %get3A_1031 : vector<16xf32>
      %div3A_1035 = arith.constant -5.000000e-01 : f32
      %div3A_1036 = vector.broadcast %div3A_1035 : f32 to vector<16xf32>
      %div3A_1037 = arith.divf %div3A_1036, %add3A_1034 : vector<16xf32>
      %swap3A_1038 = arith.constant 3 : i32
      %swap3A_1039 = arith.index_cast %swap3A_1038 : i32 to index
      %swap3A_1040 = arith.constant 192 : index
      %swap3A_1041 = tpu.vector_load %arg5[%swap3A_1039, %swap3A_1040] {strides = array<i32>} : memref<4x256xf32, #tpu.memory_space<vmem>>, vector<1x16xf32>,
      %swap3A_1042 = vector.shape_cast %swap3A_1041 : vector<1x16xf32> to vector<16xf32>
      %swap3A_1043 = vector.shape_cast %div3A_1037 : vector<16xf32> to vector<1x16xf32>
      tpu.vector_store %arg5[%swap3A_1039, %swap3A_1040], %swap3A_1043 {strides = array<i32>} : memref<4x256xf32, #tpu.memory_space<vmem>>, vector<1x16xf32>,
      %get3A_1044 = arith.constant 11 : i32
      %get3A_1045 = arith.index_cast %get3A_1044 : i32 to index
      %get3A_1046 = arith.constant 208 : index
      %get3A_1047 = tpu.vector_load %arg4[%get3A_1045, %get3A_1046] {strides = array<i32>} : memref<16x256xf32, #tpu.memory_space<vmem>>, vector<1x16xf32>,
      %get3A_1048 = vector.shape_cast %get3A_1047 : vector<1x16xf32> to vector<16xf32>
      %add3A_1049 = arith.constant 9.99999997E-7 : f32
      %add3A_1050 = vector.broadcast %add3A_1049 : f32 to vector<16xf32>
      %add3A_1051 = arith.addf %add3A_1050, %get3A_1048 : vector<16xf32>
      %div3A_1052 = arith.constant -5.000000e-01 : f32
      %div3A_1053 = vector.broadcast %div3A_1052 : f32 to vector<16xf32>
      %div3A_1054 = arith.divf %div3A_1053, %add3A_1051 : vector<16xf32>
      %swap3A_1055 = arith.constant 3 : i32
      %swap3A_1056 = arith.index_cast %swap3A_1055 : i32 to index
      %swap3A_1057 = arith.constant 208 : index
      %swap3A_1058 = tpu.vector_load %arg5[%swap3A_1056, %swap3A_1057] {strides = array<i32>} : memref<4x256xf32, #tpu.memory_space<vmem>>, vector<1x16xf32>,
      %swap3A_1059 = vector.shape_cast %swap3A_1058 : vector<1x16xf32> to vector<16xf32>
      %swap3A_1060 = vector.shape_cast %div3A_1054 : vector<16xf32> to vector<1x16xf32>
      tpu.vector_store %arg5[%swap3A_1056, %swap3A_1057], %swap3A_1060 {strides = array<i32>} : memref<4x256xf32, #tpu.memory_space<vmem>>, vector<1x16xf32>,
      %get3A_1061 = arith.constant 11 : i32
      %get3A_1062 = arith.index_cast %get3A_1061 : i32 to index
      %get3A_1063 = arith.constant 224 : index
      %get3A_1064 = tpu.vector_load %arg4[%get3A_1062, %get3A_1063] {strides = array<i32>} : memref<16x256xf32, #tpu.memory_space<vmem>>, vector<1x16xf32>,
      %get3A_1065 = vector.shape_cast %get3A_1064 : vector<1x16xf32> to vector<16xf32>
      %add3A_1066 = arith.constant 9.99999997E-7 : f32
      %add3A_1067 = vector.broadcast %add3A_1066 : f32 to vector<16xf32>
      %add3A_1068 = arith.addf %add3A_1067, %get3A_1065 : vector<16xf32>
      %div3A_1069 = arith.constant -5.000000e-01 : f32
      %div3A_1070 = vector.broadcast %div3A_1069 : f32 to vector<16xf32>
      %div3A_1071 = arith.divf %div3A_1070, %add3A_1068 : vector<16xf32>
      %swap3A_1072 = arith.constant 3 : i32
      %swap3A_1073 = arith.index_cast %swap3A_1072 : i32 to index
      %swap3A_1074 = arith.constant 224 : index
      %swap3A_1075 = tpu.vector_load %arg5[%swap3A_1073, %swap3A_1074] {strides = array<i32>} : memref<4x256xf32, #tpu.memory_space<vmem>>, vector<1x16xf32>,
      %swap3A_1076 = vector.shape_cast %swap3A_1075 : vector<1x16xf32> to vector<16xf32>
      %swap3A_1077 = vector.shape_cast %div3A_1071 : vector<16xf32> to vector<1x16xf32>
      tpu.vector_store %arg5[%swap3A_1073, %swap3A_1074], %swap3A_1077 {strides = array<i32>} : memref<4x256xf32, #tpu.memory_space<vmem>>, vector<1x16xf32>,
      %get3A_1078 = arith.constant 11 : i32
      %get3A_1079 = arith.index_cast %get3A_1078 : i32 to index
      %get3A_1080 = arith.constant 240 : index
      %get3A_1081 = tpu.vector_load %arg4[%get3A_1079, %get3A_1080] {strides = array<i32>} : memref<16x256xf32, #tpu.memory_space<vmem>>, vector<1x16xf32>,
      %get3A_1082 = vector.shape_cast %get3A_1081 : vector<1x16xf32> to vector<16xf32>
      %add3A_1083 = arith.constant 9.99999997E-7 : f32
      %add3A_1084 = vector.broadcast %add3A_1083 : f32 to vector<16xf32>
      %add3A_1085 = arith.addf %add3A_1084, %get3A_1082 : vector<16xf32>
      %div3A_1086 = arith.constant -5.000000e-01 : f32
      %div3A_1087 = vector.broadcast %div3A_1086 : f32 to vector<16xf32>
      %div3A_1088 = arith.divf %div3A_1087, %add3A_1085 : vector<16xf32>
      %swap3A_1089 = arith.constant 3 : i32
      %swap3A_1090 = arith.index_cast %swap3A_1089 : i32 to index
      %swap3A_1091 = arith.constant 240 : index
      %swap3A_1092 = tpu.vector_load %arg5[%swap3A_1090, %swap3A_1091] {strides = array<i32>} : memref<4x256xf32, #tpu.memory_space<vmem>>, vector<1x16xf32>,
      %swap3A_1093 = vector.shape_cast %swap3A_1092 : vector<1x16xf32> to vector<16xf32>
      %swap3A_1094 = vector.shape_cast %div3A_1088 : vector<16xf32> to vector<1x16xf32>
      tpu.vector_store %arg5[%swap3A_1090, %swap3A_1091], %swap3A_1094 {strides = array<i32>} : memref<4x256xf32, #tpu.memory_space<vmem>>, vector<1x16xf32>,
      %scan3A_1095 = arith.constant 0 : i32
      %scan3A_1096 = arith.constant 0 : i32
      %scan3A_1097 = arith.constant 16 : i32
      %scan3A_1098 = arith.addi %scan3A_1096, %scan3A_1097 : i32
      %scan3A_1099 = arith.constant 1 : i32
      scf.for %scan3A_1101 = %scan3A_1096 to %scan3A_1098 step %scan3A_1099  : i32 {
        %mul3A_1102 = arith.constant 16 : i32
        %mul3A_1103 = arith.muli %scan3A_1101, %mul3A_1102 : i32
        %get3A_1104 = arith.constant 4 : i32
        %get3A_1105 = arith.index_cast %get3A_1104 : i32 to index
        %get3A_1106 = arith.index_cast %mul3A_1103 : i32 to index
        %get3A_1107 = tpu.vector_load %arg4[%get3A_1105, %get3A_1106] {strides = array<i32>} : memref<16x256xf32, #tpu.memory_space<vmem>>, vector<1x16xf32>,
        %get3A_1108 = vector.shape_cast %get3A_1107 : vector<1x16xf32> to vector<16xf32>
        %mul3A_1109 = arith.constant 16 : i32
        %mul3A_1110 = arith.muli %scan3A_1101, %mul3A_1109 : i32
        %get3A_1111 = arith.constant 5 : i32
        %get3A_1112 = arith.index_cast %get3A_1111 : i32 to index
        %get3A_1113 = arith.index_cast %mul3A_1110 : i32 to index
        %get3A_1114 = tpu.vector_load %arg4[%get3A_1112, %get3A_1113] {strides = array<i32>} : memref<16x256xf32, #tpu.memory_space<vmem>>, vector<1x16xf32>,
        %get3A_1115 = vector.shape_cast %get3A_1114 : vector<1x16xf32> to vector<16xf32>
        %mul3A_1116 = arith.constant 16 : i32
        %mul3A_1117 = arith.muli %scan3A_1101, %mul3A_1116 : i32
        %get3A_1118 = arith.constant 6 : i32
        %get3A_1119 = arith.index_cast %get3A_1118 : i32 to index
        %get3A_1120 = arith.index_cast %mul3A_1117 : i32 to index
        %get3A_1121 = tpu.vector_load %arg4[%get3A_1119, %get3A_1120] {strides = array<i32>} : memref<16x256xf32, #tpu.memory_space<vmem>>, vector<1x16xf32>,
        %get3A_1122 = vector.shape_cast %get3A_1121 : vector<1x16xf32> to vector<16xf32>
        %mul3A_1123 = arith.constant 16 : i32
        %mul3A_1124 = arith.muli %scan3A_1101, %mul3A_1123 : i32
        %get3A_1125 = arith.constant 7 : i32
        %get3A_1126 = arith.index_cast %get3A_1125 : i32 to index
        %get3A_1127 = arith.index_cast %mul3A_1124 : i32 to index
        %get3A_1128 = tpu.vector_load %arg4[%get3A_1126, %get3A_1127] {strides = array<i32>} : memref<16x256xf32, #tpu.memory_space<vmem>>, vector<1x16xf32>,
        %get3A_1129 = vector.shape_cast %get3A_1128 : vector<1x16xf32> to vector<16xf32>
        %mul3A_1130 = arith.constant 16 : i32
        %mul3A_1131 = arith.muli %scan3A_1101, %mul3A_1130 : i32
        %get3A_1132 = arith.constant 0 : i32
        %get3A_1133 = arith.index_cast %get3A_1132 : i32 to index
        %get3A_1134 = arith.index_cast %mul3A_1131 : i32 to index
        %get3A_1135 = tpu.vector_load %arg5[%get3A_1133, %get3A_1134] {strides = array<i32>} : memref<4x256xf32, #tpu.memory_space<vmem>>, vector<1x16xf32>,
        %get3A_1136 = vector.shape_cast %get3A_1135 : vector<1x16xf32> to vector<16xf32>
        %mul3A_1137 = arith.constant 16 : i32
        %mul3A_1138 = arith.muli %scan3A_1101, %mul3A_1137 : i32
        %get3A_1139 = arith.constant 1 : i32
        %get3A_1140 = arith.index_cast %get3A_1139 : i32 to index
        %get3A_1141 = arith.index_cast %mul3A_1138 : i32 to index
        %get3A_1142 = tpu.vector_load %arg5[%get3A_1140, %get3A_1141] {strides = array<i32>} : memref<4x256xf32, #tpu.memory_space<vmem>>, vector<1x16xf32>,
        %get3A_1143 = vector.shape_cast %get3A_1142 : vector<1x16xf32> to vector<16xf32>
        %mul3A_1144 = arith.constant 16 : i32
        %mul3A_1145 = arith.muli %scan3A_1101, %mul3A_1144 : i32
        %get3A_1146 = arith.constant 2 : i32
        %get3A_1147 = arith.index_cast %get3A_1146 : i32 to index
        %get3A_1148 = arith.index_cast %mul3A_1145 : i32 to index
        %get3A_1149 = tpu.vector_load %arg5[%get3A_1147, %get3A_1148] {strides = array<i32>} : memref<4x256xf32, #tpu.memory_space<vmem>>, vector<1x16xf32>,
        %get3A_1150 = vector.shape_cast %get3A_1149 : vector<1x16xf32> to vector<16xf32>
        %mul3A_1151 = arith.constant 16 : i32
        %mul3A_1152 = arith.muli %scan3A_1101, %mul3A_1151 : i32
        %get3A_1153 = arith.constant 3 : i32
        %get3A_1154 = arith.index_cast %get3A_1153 : i32 to index
        %get3A_1155 = arith.index_cast %mul3A_1152 : i32 to index
        %get3A_1156 = tpu.vector_load %arg5[%get3A_1154, %get3A_1155] {strides = array<i32>} : memref<4x256xf32, #tpu.memory_space<vmem>>, vector<1x16xf32>,
        %get3A_1157 = vector.shape_cast %get3A_1156 : vector<1x16xf32> to vector<16xf32>
        %scan3A_1158 = arith.constant 0 : i32
        %scan3A_1159 = arith.constant 0 : i32
        %scan3A_1160 = arith.constant 16 : i32
        %scan3A_1161 = arith.addi %scan3A_1159, %scan3A_1160 : i32
        %scan3A_1162 = arith.constant 1 : i32
        scf.for %scan3A_1164 = %scan3A_1159 to %scan3A_1161 step %scan3A_1162  : i32 {
          %mul3A_1165 = arith.constant 16 : i32
          %mul3A_1166 = arith.muli %scan3A_1164, %mul3A_1165 : i32
          %get3A_1167 = arith.constant 0 : i32
          %get3A_1168 = arith.index_cast %get3A_1167 : i32 to index
          %get3A_1169 = arith.index_cast %mul3A_1166 : i32 to index
          %get3A_1170 = tpu.vector_load %arg4[%get3A_1168, %get3A_1169] {strides = array<i32>} : memref<16x256xf32, #tpu.memory_space<vmem>>, vector<1x16xf32>,
          %get3A_1171 = vector.shape_cast %get3A_1170 : vector<1x16xf32> to vector<16xf32>
          %mul3A_1172 = arith.constant 16 : i32
          %mul3A_1173 = arith.muli %scan3A_1164, %mul3A_1172 : i32
          %get3A_1174 = arith.constant 1 : i32
          %get3A_1175 = arith.index_cast %get3A_1174 : i32 to index
          %get3A_1176 = arith.index_cast %mul3A_1173 : i32 to index
          %get3A_1177 = tpu.vector_load %arg4[%get3A_1175, %get3A_1176] {strides = array<i32>} : memref<16x256xf32, #tpu.memory_space<vmem>>, vector<1x16xf32>,
          %get3A_1178 = vector.shape_cast %get3A_1177 : vector<1x16xf32> to vector<16xf32>
          %mul3A_1179 = arith.constant 16 : i32
          %mul3A_1180 = arith.muli %scan3A_1164, %mul3A_1179 : i32
          %get3A_1181 = arith.constant 2 : i32
          %get3A_1182 = arith.index_cast %get3A_1181 : i32 to index
          %get3A_1183 = arith.index_cast %mul3A_1180 : i32 to index
          %get3A_1184 = tpu.vector_load %arg4[%get3A_1182, %get3A_1183] {strides = array<i32>} : memref<16x256xf32, #tpu.memory_space<vmem>>, vector<1x16xf32>,
          %get3A_1185 = vector.shape_cast %get3A_1184 : vector<1x16xf32> to vector<16xf32>
          %mul3A_1186 = arith.constant 16 : i32
          %mul3A_1187 = arith.muli %scan3A_1164, %mul3A_1186 : i32
          %get3A_1188 = arith.constant 3 : i32
          %get3A_1189 = arith.index_cast %get3A_1188 : i32 to index
          %get3A_1190 = arith.index_cast %mul3A_1187 : i32 to index
          %get3A_1191 = tpu.vector_load %arg4[%get3A_1189, %get3A_1190] {strides = array<i32>} : memref<16x256xf32, #tpu.memory_space<vmem>>, vector<1x16xf32>,
          %get3A_1192 = vector.shape_cast %get3A_1191 : vector<1x16xf32> to vector<16xf32>
          %slice3A = vector.extract_strided_slice %get3A_1171 {offsets = [0], sizes = [1], strides = [1]} : vector<16xf32> to vector<1xf32>
          %squeeze3A = vector.extract %slice3A[0] : f32 from vector<1xf32>
          %sub3A = vector.broadcast %squeeze3A : f32 to vector<16xf32>
          %sub3A_1193 = arith.subf %sub3A, %get3A_1108 : vector<16xf32>
          %mul3A_1194 = arith.mulf %sub3A_1193, %sub3A_1193 : vector<16xf32>
          %mul3A_1195 = arith.mulf %mul3A_1194, %get3A_1136 : vector<16xf32>
          %slice3A_1196 = vector.extract_strided_slice %get3A_1178 {offsets = [0], sizes = [1], strides = [1]} : vector<16xf32> to vector<1xf32>
          %squeeze3A_1197 = vector.extract %slice3A_1196[0] : f32 from vector<1xf32>
          %sub3A_1198 = vector.broadcast %squeeze3A_1197 : f32 to vector<16xf32>
          %sub3A_1199 = arith.subf %sub3A_1198, %get3A_1115 : vector<16xf32>
          %mul3A_1200 = arith.mulf %sub3A_1199, %sub3A_1199 : vector<16xf32>
          %mul3A_1201 = arith.mulf %mul3A_1200, %get3A_1143 : vector<16xf32>
          %add3A_1202 = arith.addf %mul3A_1195, %mul3A_1201 : vector<16xf32>
          %slice3A_1203 = vector.extract_strided_slice %get3A_1185 {offsets = [0], sizes = [1], strides = [1]} : vector<16xf32> to vector<1xf32>
          %squeeze3A_1204 = vector.extract %slice3A_1203[0] : f32 from vector<1xf32>
          %sub3A_1205 = vector.broadcast %squeeze3A_1204 : f32 to vector<16xf32>
          %sub3A_1206 = arith.subf %sub3A_1205, %get3A_1122 : vector<16xf32>
          %mul3A_1207 = arith.mulf %sub3A_1206, %sub3A_1206 : vector<16xf32>
          %mul3A_1208 = arith.mulf %mul3A_1207, %get3A_1150 : vector<16xf32>
          %add3A_1209 = arith.addf %add3A_1202, %mul3A_1208 : vector<16xf32>
          %slice3A_1210 = vector.extract_strided_slice %get3A_1192 {offsets = [0], sizes = [1], strides = [1]} : vector<16xf32> to vector<1xf32>
          %squeeze3A_1211 = vector.extract %slice3A_1210[0] : f32 from vector<1xf32>
          %sub3A_1212 = vector.broadcast %squeeze3A_1211 : f32 to vector<16xf32>
          %sub3A_1213 = arith.subf %sub3A_1212, %get3A_1129 : vector<16xf32>
          %mul3A_1214 = arith.mulf %sub3A_1213, %sub3A_1213 : vector<16xf32>
          %mul3A_1215 = arith.mulf %mul3A_1214, %get3A_1157 : vector<16xf32>
          %add3A_1216 = arith.addf %add3A_1209, %mul3A_1215 : vector<16xf32>
          %exp3A = math.exp %add3A_1216 : vector<16xf32>
          %mul3A_1217 = arith.constant 16 : i32
          %mul3A_1218 = arith.muli %scan3A_1164, %mul3A_1217 : i32
          %add3A_1219 = arith.constant 0 : i32
          %add3A_1220 = arith.addi %mul3A_1218, %add3A_1219 : i32
          %mul3A_1221 = arith.constant 16 : i32
          %mul3A_1222 = arith.muli %scan3A_1101, %mul3A_1221 : i32
          %swap3A_1223 = arith.index_cast %add3A_1220 : i32 to index
          %swap3A_1224 = arith.index_cast %mul3A_1222 : i32 to index
          %swap3A_1225 = tpu.vector_load %arg6[%swap3A_1223, %swap3A_1224] {strides = array<i32>} : memref<256x256xf32, #tpu.memory_space<vmem>>, vector<1x16xf32>,
          %swap3A_1226 = vector.shape_cast %swap3A_1225 : vector<1x16xf32> to vector<16xf32>
          %swap3A_1227 = vector.shape_cast %exp3A : vector<16xf32> to vector<1x16xf32>
          tpu.vector_store %arg6[%swap3A_1223, %swap3A_1224], %swap3A_1227 {strides = array<i32>} : memref<256x256xf32, #tpu.memory_space<vmem>>, vector<1x16xf32>,
          %slice3A_1228 = vector.extract_strided_slice %get3A_1171 {offsets = [1], sizes = [1], strides = [1]} : vector<16xf32> to vector<1xf32>
          %squeeze3A_1229 = vector.extract %slice3A_1228[0] : f32 from vector<1xf32>
          %sub3A_1230 = vector.broadcast %squeeze3A_1229 : f32 to vector<16xf32>
          %sub3A_1231 = arith.subf %sub3A_1230, %get3A_1108 : vector<16xf32>
          %mul3A_1232 = arith.mulf %sub3A_1231, %sub3A_1231 : vector<16xf32>
          %mul3A_1233 = arith.mulf %mul3A_1232, %get3A_1136 : vector<16xf32>
          %slice3A_1234 = vector.extract_strided_slice %get3A_1178 {offsets = [1], sizes = [1], strides = [1]} : vector<16xf32> to vector<1xf32>
          %squeeze3A_1235 = vector.extract %slice3A_1234[0] : f32 from vector<1xf32>
          %sub3A_1236 = vector.broadcast %squeeze3A_1235 : f32 to vector<16xf32>
          %sub3A_1237 = arith.subf %sub3A_1236, %get3A_1115 : vector<16xf32>
          %mul3A_1238 = arith.mulf %sub3A_1237, %sub3A_1237 : vector<16xf32>
          %mul3A_1239 = arith.mulf %mul3A_1238, %get3A_1143 : vector<16xf32>
          %add3A_1240 = arith.addf %mul3A_1233, %mul3A_1239 : vector<16xf32>
          %slice3A_1241 = vector.extract_strided_slice %get3A_1185 {offsets = [1], sizes = [1], strides = [1]} : vector<16xf32> to vector<1xf32>
          %squeeze3A_1242 = vector.extract %slice3A_1241[0] : f32 from vector<1xf32>
          %sub3A_1243 = vector.broadcast %squeeze3A_1242 : f32 to vector<16xf32>
          %sub3A_1244 = arith.subf %sub3A_1243, %get3A_1122 : vector<16xf32>
          %mul3A_1245 = arith.mulf %sub3A_1244, %sub3A_1244 : vector<16xf32>
          %mul3A_1246 = arith.mulf %mul3A_1245, %get3A_1150 : vector<16xf32>
          %add3A_1247 = arith.addf %add3A_1240, %mul3A_1246 : vector<16xf32>
          %slice3A_1248 = vector.extract_strided_slice %get3A_1192 {offsets = [1], sizes = [1], strides = [1]} : vector<16xf32> to vector<1xf32>
          %squeeze3A_1249 = vector.extract %slice3A_1248[0] : f32 from vector<1xf32>
          %sub3A_1250 = vector.broadcast %squeeze3A_1249 : f32 to vector<16xf32>
          %sub3A_1251 = arith.subf %sub3A_1250, %get3A_1129 : vector<16xf32>
          %mul3A_1252 = arith.mulf %sub3A_1251, %sub3A_1251 : vector<16xf32>
          %mul3A_1253 = arith.mulf %mul3A_1252, %get3A_1157 : vector<16xf32>
          %add3A_1254 = arith.addf %add3A_1247, %mul3A_1253 : vector<16xf32>
          %exp3A_1255 = math.exp %add3A_1254 : vector<16xf32>
          %mul3A_1256 = arith.constant 16 : i32
          %mul3A_1257 = arith.muli %scan3A_1164, %mul3A_1256 : i32
          %add3A_1258 = arith.constant 1 : i32
          %add3A_1259 = arith.addi %mul3A_1257, %add3A_1258 : i32
          %mul3A_1260 = arith.constant 16 : i32
          %mul3A_1261 = arith.muli %scan3A_1101, %mul3A_1260 : i32
          %swap3A_1262 = arith.index_cast %add3A_1259 : i32 to index
          %swap3A_1263 = arith.index_cast %mul3A_1261 : i32 to index
          %swap3A_1264 = tpu.vector_load %arg6[%swap3A_1262, %swap3A_1263] {strides = array<i32>} : memref<256x256xf32, #tpu.memory_space<vmem>>, vector<1x16xf32>,
          %swap3A_1265 = vector.shape_cast %swap3A_1264 : vector<1x16xf32> to vector<16xf32>
          %swap3A_1266 = vector.shape_cast %exp3A_1255 : vector<16xf32> to vector<1x16xf32>
          tpu.vector_store %arg6[%swap3A_1262, %swap3A_1263], %swap3A_1266 {strides = array<i32>} : memref<256x256xf32, #tpu.memory_space<vmem>>, vector<1x16xf32>,
          %slice3A_1267 = vector.extract_strided_slice %get3A_1171 {offsets = [2], sizes = [1], strides = [1]} : vector<16xf32> to vector<1xf32>
          %squeeze3A_1268 = vector.extract %slice3A_1267[0] : f32 from vector<1xf32>
          %sub3A_1269 = vector.broadcast %squeeze3A_1268 : f32 to vector<16xf32>
          %sub3A_1270 = arith.subf %sub3A_1269, %get3A_1108 : vector<16xf32>
          %mul3A_1271 = arith.mulf %sub3A_1270, %sub3A_1270 : vector<16xf32>
          %mul3A_1272 = arith.mulf %mul3A_1271, %get3A_1136 : vector<16xf32>
          %slice3A_1273 = vector.extract_strided_slice %get3A_1178 {offsets = [2], sizes = [1], strides = [1]} : vector<16xf32> to vector<1xf32>
          %squeeze3A_1274 = vector.extract %slice3A_1273[0] : f32 from vector<1xf32>
          %sub3A_1275 = vector.broadcast %squeeze3A_1274 : f32 to vector<16xf32>
          %sub3A_1276 = arith.subf %sub3A_1275, %get3A_1115 : vector<16xf32>
          %mul3A_1277 = arith.mulf %sub3A_1276, %sub3A_1276 : vector<16xf32>
          %mul3A_1278 = arith.mulf %mul3A_1277, %get3A_1143 : vector<16xf32>
          %add3A_1279 = arith.addf %mul3A_1272, %mul3A_1278 : vector<16xf32>
          %slice3A_1280 = vector.extract_strided_slice %get3A_1185 {offsets = [2], sizes = [1], strides = [1]} : vector<16xf32> to vector<1xf32>
          %squeeze3A_1281 = vector.extract %slice3A_1280[0] : f32 from vector<1xf32>
          %sub3A_1282 = vector.broadcast %squeeze3A_1281 : f32 to vector<16xf32>
          %sub3A_1283 = arith.subf %sub3A_1282, %get3A_1122 : vector<16xf32>
          %mul3A_1284 = arith.mulf %sub3A_1283, %sub3A_1283 : vector<16xf32>
          %mul3A_1285 = arith.mulf %mul3A_1284, %get3A_1150 : vector<16xf32>
          %add3A_1286 = arith.addf %add3A_1279, %mul3A_1285 : vector<16xf32>
          %slice3A_1287 = vector.extract_strided_slice %get3A_1192 {offsets = [2], sizes = [1], strides = [1]} : vector<16xf32> to vector<1xf32>
          %squeeze3A_1288 = vector.extract %slice3A_1287[0] : f32 from vector<1xf32>
          %sub3A_1289 = vector.broadcast %squeeze3A_1288 : f32 to vector<16xf32>
          %sub3A_1290 = arith.subf %sub3A_1289, %get3A_1129 : vector<16xf32>
          %mul3A_1291 = arith.mulf %sub3A_1290, %sub3A_1290 : vector<16xf32>
          %mul3A_1292 = arith.mulf %mul3A_1291, %get3A_1157 : vector<16xf32>
          %add3A_1293 = arith.addf %add3A_1286, %mul3A_1292 : vector<16xf32>
          %exp3A_1294 = math.exp %add3A_1293 : vector<16xf32>
          %mul3A_1295 = arith.constant 16 : i32
          %mul3A_1296 = arith.muli %scan3A_1164, %mul3A_1295 : i32
          %add3A_1297 = arith.constant 2 : i32
          %add3A_1298 = arith.addi %mul3A_1296, %add3A_1297 : i32
          %mul3A_1299 = arith.constant 16 : i32
          %mul3A_1300 = arith.muli %scan3A_1101, %mul3A_1299 : i32
          %swap3A_1301 = arith.index_cast %add3A_1298 : i32 to index
          %swap3A_1302 = arith.index_cast %mul3A_1300 : i32 to index
          %swap3A_1303 = tpu.vector_load %arg6[%swap3A_1301, %swap3A_1302] {strides = array<i32>} : memref<256x256xf32, #tpu.memory_space<vmem>>, vector<1x16xf32>,
          %swap3A_1304 = vector.shape_cast %swap3A_1303 : vector<1x16xf32> to vector<16xf32>
          %swap3A_1305 = vector.shape_cast %exp3A_1294 : vector<16xf32> to vector<1x16xf32>
          tpu.vector_store %arg6[%swap3A_1301, %swap3A_1302], %swap3A_1305 {strides = array<i32>} : memref<256x256xf32, #tpu.memory_space<vmem>>, vector<1x16xf32>,
          %slice3A_1306 = vector.extract_strided_slice %get3A_1171 {offsets = [3], sizes = [1], strides = [1]} : vector<16xf32> to vector<1xf32>
          %squeeze3A_1307 = vector.extract %slice3A_1306[0] : f32 from vector<1xf32>
          %sub3A_1308 = vector.broadcast %squeeze3A_1307 : f32 to vector<16xf32>
          %sub3A_1309 = arith.subf %sub3A_1308, %get3A_1108 : vector<16xf32>
          %mul3A_1310 = arith.mulf %sub3A_1309, %sub3A_1309 : vector<16xf32>
          %mul3A_1311 = arith.mulf %mul3A_1310, %get3A_1136 : vector<16xf32>
          %slice3A_1312 = vector.extract_strided_slice %get3A_1178 {offsets = [3], sizes = [1], strides = [1]} : vector<16xf32> to vector<1xf32>
          %squeeze3A_1313 = vector.extract %slice3A_1312[0] : f32 from vector<1xf32>
          %sub3A_1314 = vector.broadcast %squeeze3A_1313 : f32 to vector<16xf32>
          %sub3A_1315 = arith.subf %sub3A_1314, %get3A_1115 : vector<16xf32>
          %mul3A_1316 = arith.mulf %sub3A_1315, %sub3A_1315 : vector<16xf32>
          %mul3A_1317 = arith.mulf %mul3A_1316, %get3A_1143 : vector<16xf32>
          %add3A_1318 = arith.addf %mul3A_1311, %mul3A_1317 : vector<16xf32>
          %slice3A_1319 = vector.extract_strided_slice %get3A_1185 {offsets = [3], sizes = [1], strides = [1]} : vector<16xf32> to vector<1xf32>
          %squeeze3A_1320 = vector.extract %slice3A_1319[0] : f32 from vector<1xf32>
          %sub3A_1321 = vector.broadcast %squeeze3A_1320 : f32 to vector<16xf32>
          %sub3A_1322 = arith.subf %sub3A_1321, %get3A_1122 : vector<16xf32>
          %mul3A_1323 = arith.mulf %sub3A_1322, %sub3A_1322 : vector<16xf32>
          %mul3A_1324 = arith.mulf %mul3A_1323, %get3A_1150 : vector<16xf32>
          %add3A_1325 = arith.addf %add3A_1318, %mul3A_1324 : vector<16xf32>
          %slice3A_1326 = vector.extract_strided_slice %get3A_1192 {offsets = [3], sizes = [1], strides = [1]} : vector<16xf32> to vector<1xf32>
          %squeeze3A_1327 = vector.extract %slice3A_1326[0] : f32 from vector<1xf32>
          %sub3A_1328 = vector.broadcast %squeeze3A_1327 : f32 to vector<16xf32>
          %sub3A_1329 = arith.subf %sub3A_1328, %get3A_1129 : vector<16xf32>
          %mul3A_1330 = arith.mulf %sub3A_1329, %sub3A_1329 : vector<16xf32>
          %mul3A_1331 = arith.mulf %mul3A_1330, %get3A_1157 : vector<16xf32>
          %add3A_1332 = arith.addf %add3A_1325, %mul3A_1331 : vector<16xf32>
          %exp3A_1333 = math.exp %add3A_1332 : vector<16xf32>
          %mul3A_1334 = arith.constant 16 : i32
          %mul3A_1335 = arith.muli %scan3A_1164, %mul3A_1334 : i32
          %add3A_1336 = arith.constant 3 : i32
          %add3A_1337 = arith.addi %mul3A_1335, %add3A_1336 : i32
          %mul3A_1338 = arith.constant 16 : i32
          %mul3A_1339 = arith.muli %scan3A_1101, %mul3A_1338 : i32
          %swap3A_1340 = arith.index_cast %add3A_1337 : i32 to index
          %swap3A_1341 = arith.index_cast %mul3A_1339 : i32 to index
          %swap3A_1342 = tpu.vector_load %arg6[%swap3A_1340, %swap3A_1341] {strides = array<i32>} : memref<256x256xf32, #tpu.memory_space<vmem>>, vector<1x16xf32>,
          %swap3A_1343 = vector.shape_cast %swap3A_1342 : vector<1x16xf32> to vector<16xf32>
          %swap3A_1344 = vector.shape_cast %exp3A_1333 : vector<16xf32> to vector<1x16xf32>
          tpu.vector_store %arg6[%swap3A_1340, %swap3A_1341], %swap3A_1344 {strides = array<i32>} : memref<256x256xf32, #tpu.memory_space<vmem>>, vector<1x16xf32>,
          %slice3A_1345 = vector.extract_strided_slice %get3A_1171 {offsets = [4], sizes = [1], strides = [1]} : vector<16xf32> to vector<1xf32>
          %squeeze3A_1346 = vector.extract %slice3A_1345[0] : f32 from vector<1xf32>
          %sub3A_1347 = vector.broadcast %squeeze3A_1346 : f32 to vector<16xf32>
          %sub3A_1348 = arith.subf %sub3A_1347, %get3A_1108 : vector<16xf32>
          %mul3A_1349 = arith.mulf %sub3A_1348, %sub3A_1348 : vector<16xf32>
          %mul3A_1350 = arith.mulf %mul3A_1349, %get3A_1136 : vector<16xf32>
          %slice3A_1351 = vector.extract_strided_slice %get3A_1178 {offsets = [4], sizes = [1], strides = [1]} : vector<16xf32> to vector<1xf32>
          %squeeze3A_1352 = vector.extract %slice3A_1351[0] : f32 from vector<1xf32>
          %sub3A_1353 = vector.broadcast %squeeze3A_1352 : f32 to vector<16xf32>
          %sub3A_1354 = arith.subf %sub3A_1353, %get3A_1115 : vector<16xf32>
          %mul3A_1355 = arith.mulf %sub3A_1354, %sub3A_1354 : vector<16xf32>
          %mul3A_1356 = arith.mulf %mul3A_1355, %get3A_1143 : vector<16xf32>
          %add3A_1357 = arith.addf %mul3A_1350, %mul3A_1356 : vector<16xf32>
          %slice3A_1358 = vector.extract_strided_slice %get3A_1185 {offsets = [4], sizes = [1], strides = [1]} : vector<16xf32> to vector<1xf32>
          %squeeze3A_1359 = vector.extract %slice3A_1358[0] : f32 from vector<1xf32>
          %sub3A_1360 = vector.broadcast %squeeze3A_1359 : f32 to vector<16xf32>
          %sub3A_1361 = arith.subf %sub3A_1360, %get3A_1122 : vector<16xf32>
          %mul3A_1362 = arith.mulf %sub3A_1361, %sub3A_1361 : vector<16xf32>
          %mul3A_1363 = arith.mulf %mul3A_1362, %get3A_1150 : vector<16xf32>
          %add3A_1364 = arith.addf %add3A_1357, %mul3A_1363 : vector<16xf32>
          %slice3A_1365 = vector.extract_strided_slice %get3A_1192 {offsets = [4], sizes = [1], strides = [1]} : vector<16xf32> to vector<1xf32>
          %squeeze3A_1366 = vector.extract %slice3A_1365[0] : f32 from vector<1xf32>
          %sub3A_1367 = vector.broadcast %squeeze3A_1366 : f32 to vector<16xf32>
          %sub3A_1368 = arith.subf %sub3A_1367, %get3A_1129 : vector<16xf32>
          %mul3A_1369 = arith.mulf %sub3A_1368, %sub3A_1368 : vector<16xf32>
          %mul3A_1370 = arith.mulf %mul3A_1369, %get3A_1157 : vector<16xf32>
          %add3A_1371 = arith.addf %add3A_1364, %mul3A_1370 : vector<16xf32>
          %exp3A_1372 = math.exp %add3A_1371 : vector<16xf32>
          %mul3A_1373 = arith.constant 16 : i32
          %mul3A_1374 = arith.muli %scan3A_1164, %mul3A_1373 : i32
          %add3A_1375 = arith.constant 4 : i32
          %add3A_1376 = arith.addi %mul3A_1374, %add3A_1375 : i32
          %mul3A_1377 = arith.constant 16 : i32
          %mul3A_1378 = arith.muli %scan3A_1101, %mul3A_1377 : i32
          %swap3A_1379 = arith.index_cast %add3A_1376 : i32 to index
          %swap3A_1380 = arith.index_cast %mul3A_1378 : i32 to index
          %swap3A_1381 = tpu.vector_load %arg6[%swap3A_1379, %swap3A_1380] {strides = array<i32>} : memref<256x256xf32, #tpu.memory_space<vmem>>, vector<1x16xf32>,
          %swap3A_1382 = vector.shape_cast %swap3A_1381 : vector<1x16xf32> to vector<16xf32>
          %swap3A_1383 = vector.shape_cast %exp3A_1372 : vector<16xf32> to vector<1x16xf32>
          tpu.vector_store %arg6[%swap3A_1379, %swap3A_1380], %swap3A_1383 {strides = array<i32>} : memref<256x256xf32, #tpu.memory_space<vmem>>, vector<1x16xf32>,
          %slice3A_1384 = vector.extract_strided_slice %get3A_1171 {offsets = [5], sizes = [1], strides = [1]} : vector<16xf32> to vector<1xf32>
          %squeeze3A_1385 = vector.extract %slice3A_1384[0] : f32 from vector<1xf32>
          %sub3A_1386 = vector.broadcast %squeeze3A_1385 : f32 to vector<16xf32>
          %sub3A_1387 = arith.subf %sub3A_1386, %get3A_1108 : vector<16xf32>
          %mul3A_1388 = arith.mulf %sub3A_1387, %sub3A_1387 : vector<16xf32>
          %mul3A_1389 = arith.mulf %mul3A_1388, %get3A_1136 : vector<16xf32>
          %slice3A_1390 = vector.extract_strided_slice %get3A_1178 {offsets = [5], sizes = [1], strides = [1]} : vector<16xf32> to vector<1xf32>
          %squeeze3A_1391 = vector.extract %slice3A_1390[0] : f32 from vector<1xf32>
          %sub3A_1392 = vector.broadcast %squeeze3A_1391 : f32 to vector<16xf32>
          %sub3A_1393 = arith.subf %sub3A_1392, %get3A_1115 : vector<16xf32>
          %mul3A_1394 = arith.mulf %sub3A_1393, %sub3A_1393 : vector<16xf32>
          %mul3A_1395 = arith.mulf %mul3A_1394, %get3A_1143 : vector<16xf32>
          %add3A_1396 = arith.addf %mul3A_1389, %mul3A_1395 : vector<16xf32>
          %slice3A_1397 = vector.extract_strided_slice %get3A_1185 {offsets = [5], sizes = [1], strides = [1]} : vector<16xf32> to vector<1xf32>
          %squeeze3A_1398 = vector.extract %slice3A_1397[0] : f32 from vector<1xf32>
          %sub3A_1399 = vector.broadcast %squeeze3A_1398 : f32 to vector<16xf32>
          %sub3A_1400 = arith.subf %sub3A_1399, %get3A_1122 : vector<16xf32>
          %mul3A_1401 = arith.mulf %sub3A_1400, %sub3A_1400 : vector<16xf32>
          %mul3A_1402 = arith.mulf %mul3A_1401, %get3A_1150 : vector<16xf32>
          %add3A_1403 = arith.addf %add3A_1396, %mul3A_1402 : vector<16xf32>
          %slice3A_1404 = vector.extract_strided_slice %get3A_1192 {offsets = [5], sizes = [1], strides = [1]} : vector<16xf32> to vector<1xf32>
          %squeeze3A_1405 = vector.extract %slice3A_1404[0] : f32 from vector<1xf32>
          %sub3A_1406 = vector.broadcast %squeeze3A_1405 : f32 to vector<16xf32>
          %sub3A_1407 = arith.subf %sub3A_1406, %get3A_1129 : vector<16xf32>
          %mul3A_1408 = arith.mulf %sub3A_1407, %sub3A_1407 : vector<16xf32>
          %mul3A_1409 = arith.mulf %mul3A_1408, %get3A_1157 : vector<16xf32>
          %add3A_1410 = arith.addf %add3A_1403, %mul3A_1409 : vector<16xf32>
          %exp3A_1411 = math.exp %add3A_1410 : vector<16xf32>
          %mul3A_1412 = arith.constant 16 : i32
          %mul3A_1413 = arith.muli %scan3A_1164, %mul3A_1412 : i32
          %add3A_1414 = arith.constant 5 : i32
          %add3A_1415 = arith.addi %mul3A_1413, %add3A_1414 : i32
          %mul3A_1416 = arith.constant 16 : i32
          %mul3A_1417 = arith.muli %scan3A_1101, %mul3A_1416 : i32
          %swap3A_1418 = arith.index_cast %add3A_1415 : i32 to index
          %swap3A_1419 = arith.index_cast %mul3A_1417 : i32 to index
          %swap3A_1420 = tpu.vector_load %arg6[%swap3A_1418, %swap3A_1419] {strides = array<i32>} : memref<256x256xf32, #tpu.memory_space<vmem>>, vector<1x16xf32>,
          %swap3A_1421 = vector.shape_cast %swap3A_1420 : vector<1x16xf32> to vector<16xf32>
          %swap3A_1422 = vector.shape_cast %exp3A_1411 : vector<16xf32> to vector<1x16xf32>
          tpu.vector_store %arg6[%swap3A_1418, %swap3A_1419], %swap3A_1422 {strides = array<i32>} : memref<256x256xf32, #tpu.memory_space<vmem>>, vector<1x16xf32>,
          %slice3A_1423 = vector.extract_strided_slice %get3A_1171 {offsets = [6], sizes = [1], strides = [1]} : vector<16xf32> to vector<1xf32>
          %squeeze3A_1424 = vector.extract %slice3A_1423[0] : f32 from vector<1xf32>
          %sub3A_1425 = vector.broadcast %squeeze3A_1424 : f32 to vector<16xf32>
          %sub3A_1426 = arith.subf %sub3A_1425, %get3A_1108 : vector<16xf32>
          %mul3A_1427 = arith.mulf %sub3A_1426, %sub3A_1426 : vector<16xf32>
          %mul3A_1428 = arith.mulf %mul3A_1427, %get3A_1136 : vector<16xf32>
          %slice3A_1429 = vector.extract_strided_slice %get3A_1178 {offsets = [6], sizes = [1], strides = [1]} : vector<16xf32> to vector<1xf32>
          %squeeze3A_1430 = vector.extract %slice3A_1429[0] : f32 from vector<1xf32>
          %sub3A_1431 = vector.broadcast %squeeze3A_1430 : f32 to vector<16xf32>
          %sub3A_1432 = arith.subf %sub3A_1431, %get3A_1115 : vector<16xf32>
          %mul3A_1433 = arith.mulf %sub3A_1432, %sub3A_1432 : vector<16xf32>
          %mul3A_1434 = arith.mulf %mul3A_1433, %get3A_1143 : vector<16xf32>
          %add3A_1435 = arith.addf %mul3A_1428, %mul3A_1434 : vector<16xf32>
          %slice3A_1436 = vector.extract_strided_slice %get3A_1185 {offsets = [6], sizes = [1], strides = [1]} : vector<16xf32> to vector<1xf32>
          %squeeze3A_1437 = vector.extract %slice3A_1436[0] : f32 from vector<1xf32>
          %sub3A_1438 = vector.broadcast %squeeze3A_1437 : f32 to vector<16xf32>
          %sub3A_1439 = arith.subf %sub3A_1438, %get3A_1122 : vector<16xf32>
          %mul3A_1440 = arith.mulf %sub3A_1439, %sub3A_1439 : vector<16xf32>
          %mul3A_1441 = arith.mulf %mul3A_1440, %get3A_1150 : vector<16xf32>
          %add3A_1442 = arith.addf %add3A_1435, %mul3A_1441 : vector<16xf32>
          %slice3A_1443 = vector.extract_strided_slice %get3A_1192 {offsets = [6], sizes = [1], strides = [1]} : vector<16xf32> to vector<1xf32>
          %squeeze3A_1444 = vector.extract %slice3A_1443[0] : f32 from vector<1xf32>
          %sub3A_1445 = vector.broadcast %squeeze3A_1444 : f32 to vector<16xf32>
          %sub3A_1446 = arith.subf %sub3A_1445, %get3A_1129 : vector<16xf32>
          %mul3A_1447 = arith.mulf %sub3A_1446, %sub3A_1446 : vector<16xf32>
          %mul3A_1448 = arith.mulf %mul3A_1447, %get3A_1157 : vector<16xf32>
          %add3A_1449 = arith.addf %add3A_1442, %mul3A_1448 : vector<16xf32>
          %exp3A_1450 = math.exp %add3A_1449 : vector<16xf32>
          %mul3A_1451 = arith.constant 16 : i32
          %mul3A_1452 = arith.muli %scan3A_1164, %mul3A_1451 : i32
          %add3A_1453 = arith.constant 6 : i32
          %add3A_1454 = arith.addi %mul3A_1452, %add3A_1453 : i32
          %mul3A_1455 = arith.constant 16 : i32
          %mul3A_1456 = arith.muli %scan3A_1101, %mul3A_1455 : i32
          %swap3A_1457 = arith.index_cast %add3A_1454 : i32 to index
          %swap3A_1458 = arith.index_cast %mul3A_1456 : i32 to index
          %swap3A_1459 = tpu.vector_load %arg6[%swap3A_1457, %swap3A_1458] {strides = array<i32>} : memref<256x256xf32, #tpu.memory_space<vmem>>, vector<1x16xf32>,
          %swap3A_1460 = vector.shape_cast %swap3A_1459 : vector<1x16xf32> to vector<16xf32>
          %swap3A_1461 = vector.shape_cast %exp3A_1450 : vector<16xf32> to vector<1x16xf32>
          tpu.vector_store %arg6[%swap3A_1457, %swap3A_1458], %swap3A_1461 {strides = array<i32>} : memref<256x256xf32, #tpu.memory_space<vmem>>, vector<1x16xf32>,
          %slice3A_1462 = vector.extract_strided_slice %get3A_1171 {offsets = [7], sizes = [1], strides = [1]} : vector<16xf32> to vector<1xf32>
          %squeeze3A_1463 = vector.extract %slice3A_1462[0] : f32 from vector<1xf32>
          %sub3A_1464 = vector.broadcast %squeeze3A_1463 : f32 to vector<16xf32>
          %sub3A_1465 = arith.subf %sub3A_1464, %get3A_1108 : vector<16xf32>
          %mul3A_1466 = arith.mulf %sub3A_1465, %sub3A_1465 : vector<16xf32>
          %mul3A_1467 = arith.mulf %mul3A_1466, %get3A_1136 : vector<16xf32>
          %slice3A_1468 = vector.extract_strided_slice %get3A_1178 {offsets = [7], sizes = [1], strides = [1]} : vector<16xf32> to vector<1xf32>
          %squeeze3A_1469 = vector.extract %slice3A_1468[0] : f32 from vector<1xf32>
          %sub3A_1470 = vector.broadcast %squeeze3A_1469 : f32 to vector<16xf32>
          %sub3A_1471 = arith.subf %sub3A_1470, %get3A_1115 : vector<16xf32>
          %mul3A_1472 = arith.mulf %sub3A_1471, %sub3A_1471 : vector<16xf32>
          %mul3A_1473 = arith.mulf %mul3A_1472, %get3A_1143 : vector<16xf32>
          %add3A_1474 = arith.addf %mul3A_1467, %mul3A_1473 : vector<16xf32>
          %slice3A_1475 = vector.extract_strided_slice %get3A_1185 {offsets = [7], sizes = [1], strides = [1]} : vector<16xf32> to vector<1xf32>
          %squeeze3A_1476 = vector.extract %slice3A_1475[0] : f32 from vector<1xf32>
          %sub3A_1477 = vector.broadcast %squeeze3A_1476 : f32 to vector<16xf32>
          %sub3A_1478 = arith.subf %sub3A_1477, %get3A_1122 : vector<16xf32>
          %mul3A_1479 = arith.mulf %sub3A_1478, %sub3A_1478 : vector<16xf32>
          %mul3A_1480 = arith.mulf %mul3A_1479, %get3A_1150 : vector<16xf32>
          %add3A_1481 = arith.addf %add3A_1474, %mul3A_1480 : vector<16xf32>
          %slice3A_1482 = vector.extract_strided_slice %get3A_1192 {offsets = [7], sizes = [1], strides = [1]} : vector<16xf32> to vector<1xf32>
          %squeeze3A_1483 = vector.extract %slice3A_1482[0] : f32 from vector<1xf32>
          %sub3A_1484 = vector.broadcast %squeeze3A_1483 : f32 to vector<16xf32>
          %sub3A_1485 = arith.subf %sub3A_1484, %get3A_1129 : vector<16xf32>
          %mul3A_1486 = arith.mulf %sub3A_1485, %sub3A_1485 : vector<16xf32>
          %mul3A_1487 = arith.mulf %mul3A_1486, %get3A_1157 : vector<16xf32>
          %add3A_1488 = arith.addf %add3A_1481, %mul3A_1487 : vector<16xf32>
          %exp3A_1489 = math.exp %add3A_1488 : vector<16xf32>
          %mul3A_1490 = arith.constant 16 : i32
          %mul3A_1491 = arith.muli %scan3A_1164, %mul3A_1490 : i32
          %add3A_1492 = arith.constant 7 : i32
          %add3A_1493 = arith.addi %mul3A_1491, %add3A_1492 : i32
          %mul3A_1494 = arith.constant 16 : i32
          %mul3A_1495 = arith.muli %scan3A_1101, %mul3A_1494 : i32
          %swap3A_1496 = arith.index_cast %add3A_1493 : i32 to index
          %swap3A_1497 = arith.index_cast %mul3A_1495 : i32 to index
          %swap3A_1498 = tpu.vector_load %arg6[%swap3A_1496, %swap3A_1497] {strides = array<i32>} : memref<256x256xf32, #tpu.memory_space<vmem>>, vector<1x16xf32>,
          %swap3A_1499 = vector.shape_cast %swap3A_1498 : vector<1x16xf32> to vector<16xf32>
          %swap3A_1500 = vector.shape_cast %exp3A_1489 : vector<16xf32> to vector<1x16xf32>
          tpu.vector_store %arg6[%swap3A_1496, %swap3A_1497], %swap3A_1500 {strides = array<i32>} : memref<256x256xf32, #tpu.memory_space<vmem>>, vector<1x16xf32>,
          %slice3A_1501 = vector.extract_strided_slice %get3A_1171 {offsets = [8], sizes = [1], strides = [1]} : vector<16xf32> to vector<1xf32>
          %squeeze3A_1502 = vector.extract %slice3A_1501[0] : f32 from vector<1xf32>
          %sub3A_1503 = vector.broadcast %squeeze3A_1502 : f32 to vector<16xf32>
          %sub3A_1504 = arith.subf %sub3A_1503, %get3A_1108 : vector<16xf32>
          %mul3A_1505 = arith.mulf %sub3A_1504, %sub3A_1504 : vector<16xf32>
          %mul3A_1506 = arith.mulf %mul3A_1505, %get3A_1136 : vector<16xf32>
          %slice3A_1507 = vector.extract_strided_slice %get3A_1178 {offsets = [8], sizes = [1], strides = [1]} : vector<16xf32> to vector<1xf32>
          %squeeze3A_1508 = vector.extract %slice3A_1507[0] : f32 from vector<1xf32>
          %sub3A_1509 = vector.broadcast %squeeze3A_1508 : f32 to vector<16xf32>
          %sub3A_1510 = arith.subf %sub3A_1509, %get3A_1115 : vector<16xf32>
          %mul3A_1511 = arith.mulf %sub3A_1510, %sub3A_1510 : vector<16xf32>
          %mul3A_1512 = arith.mulf %mul3A_1511, %get3A_1143 : vector<16xf32>
          %add3A_1513 = arith.addf %mul3A_1506, %mul3A_1512 : vector<16xf32>
          %slice3A_1514 = vector.extract_strided_slice %get3A_1185 {offsets = [8], sizes = [1], strides = [1]} : vector<16xf32> to vector<1xf32>
          %squeeze3A_1515 = vector.extract %slice3A_1514[0] : f32 from vector<1xf32>
          %sub3A_1516 = vector.broadcast %squeeze3A_1515 : f32 to vector<16xf32>
          %sub3A_1517 = arith.subf %sub3A_1516, %get3A_1122 : vector<16xf32>
          %mul3A_1518 = arith.mulf %sub3A_1517, %sub3A_1517 : vector<16xf32>
          %mul3A_1519 = arith.mulf %mul3A_1518, %get3A_1150 : vector<16xf32>
          %add3A_1520 = arith.addf %add3A_1513, %mul3A_1519 : vector<16xf32>
          %slice3A_1521 = vector.extract_strided_slice %get3A_1192 {offsets = [8], sizes = [1], strides = [1]} : vector<16xf32> to vector<1xf32>
          %squeeze3A_1522 = vector.extract %slice3A_1521[0] : f32 from vector<1xf32>
          %sub3A_1523 = vector.broadcast %squeeze3A_1522 : f32 to vector<16xf32>
          %sub3A_1524 = arith.subf %sub3A_1523, %get3A_1129 : vector<16xf32>
          %mul3A_1525 = arith.mulf %sub3A_1524, %sub3A_1524 : vector<16xf32>
          %mul3A_1526 = arith.mulf %mul3A_1525, %get3A_1157 : vector<16xf32>
          %add3A_1527 = arith.addf %add3A_1520, %mul3A_1526 : vector<16xf32>
          %exp3A_1528 = math.exp %add3A_1527 : vector<16xf32>
          %mul3A_1529 = arith.constant 16 : i32
          %mul3A_1530 = arith.muli %scan3A_1164, %mul3A_1529 : i32
          %add3A_1531 = arith.constant 8 : i32
          %add3A_1532 = arith.addi %mul3A_1530, %add3A_1531 : i32
          %mul3A_1533 = arith.constant 16 : i32
          %mul3A_1534 = arith.muli %scan3A_1101, %mul3A_1533 : i32
          %swap3A_1535 = arith.index_cast %add3A_1532 : i32 to index
          %swap3A_1536 = arith.index_cast %mul3A_1534 : i32 to index
          %swap3A_1537 = tpu.vector_load %arg6[%swap3A_1535, %swap3A_1536] {strides = array<i32>} : memref<256x256xf32, #tpu.memory_space<vmem>>, vector<1x16xf32>,
          %swap3A_1538 = vector.shape_cast %swap3A_1537 : vector<1x16xf32> to vector<16xf32>
          %swap3A_1539 = vector.shape_cast %exp3A_1528 : vector<16xf32> to vector<1x16xf32>
          tpu.vector_store %arg6[%swap3A_1535, %swap3A_1536], %swap3A_1539 {strides = array<i32>} : memref<256x256xf32, #tpu.memory_space<vmem>>, vector<1x16xf32>,
          %slice3A_1540 = vector.extract_strided_slice %get3A_1171 {offsets = [9], sizes = [1], strides = [1]} : vector<16xf32> to vector<1xf32>
          %squeeze3A_1541 = vector.extract %slice3A_1540[0] : f32 from vector<1xf32>
          %sub3A_1542 = vector.broadcast %squeeze3A_1541 : f32 to vector<16xf32>
          %sub3A_1543 = arith.subf %sub3A_1542, %get3A_1108 : vector<16xf32>
          %mul3A_1544 = arith.mulf %sub3A_1543, %sub3A_1543 : vector<16xf32>
          %mul3A_1545 = arith.mulf %mul3A_1544, %get3A_1136 : vector<16xf32>
          %slice3A_1546 = vector.extract_strided_slice %get3A_1178 {offsets = [9], sizes = [1], strides = [1]} : vector<16xf32> to vector<1xf32>
          %squeeze3A_1547 = vector.extract %slice3A_1546[0] : f32 from vector<1xf32>
          %sub3A_1548 = vector.broadcast %squeeze3A_1547 : f32 to vector<16xf32>
          %sub3A_1549 = arith.subf %sub3A_1548, %get3A_1115 : vector<16xf32>
          %mul3A_1550 = arith.mulf %sub3A_1549, %sub3A_1549 : vector<16xf32>
          %mul3A_1551 = arith.mulf %mul3A_1550, %get3A_1143 : vector<16xf32>
          %add3A_1552 = arith.addf %mul3A_1545, %mul3A_1551 : vector<16xf32>
          %slice3A_1553 = vector.extract_strided_slice %get3A_1185 {offsets = [9], sizes = [1], strides = [1]} : vector<16xf32> to vector<1xf32>
          %squeeze3A_1554 = vector.extract %slice3A_1553[0] : f32 from vector<1xf32>
          %sub3A_1555 = vector.broadcast %squeeze3A_1554 : f32 to vector<16xf32>
          %sub3A_1556 = arith.subf %sub3A_1555, %get3A_1122 : vector<16xf32>
          %mul3A_1557 = arith.mulf %sub3A_1556, %sub3A_1556 : vector<16xf32>
          %mul3A_1558 = arith.mulf %mul3A_1557, %get3A_1150 : vector<16xf32>
          %add3A_1559 = arith.addf %add3A_1552, %mul3A_1558 : vector<16xf32>
          %slice3A_1560 = vector.extract_strided_slice %get3A_1192 {offsets = [9], sizes = [1], strides = [1]} : vector<16xf32> to vector<1xf32>
          %squeeze3A_1561 = vector.extract %slice3A_1560[0] : f32 from vector<1xf32>
          %sub3A_1562 = vector.broadcast %squeeze3A_1561 : f32 to vector<16xf32>
          %sub3A_1563 = arith.subf %sub3A_1562, %get3A_1129 : vector<16xf32>
          %mul3A_1564 = arith.mulf %sub3A_1563, %sub3A_1563 : vector<16xf32>
          %mul3A_1565 = arith.mulf %mul3A_1564, %get3A_1157 : vector<16xf32>
          %add3A_1566 = arith.addf %add3A_1559, %mul3A_1565 : vector<16xf32>
          %exp3A_1567 = math.exp %add3A_1566 : vector<16xf32>
          %mul3A_1568 = arith.constant 16 : i32
          %mul3A_1569 = arith.muli %scan3A_1164, %mul3A_1568 : i32
          %add3A_1570 = arith.constant 9 : i32
          %add3A_1571 = arith.addi %mul3A_1569, %add3A_1570 : i32
          %mul3A_1572 = arith.constant 16 : i32
          %mul3A_1573 = arith.muli %scan3A_1101, %mul3A_1572 : i32
          %swap3A_1574 = arith.index_cast %add3A_1571 : i32 to index
          %swap3A_1575 = arith.index_cast %mul3A_1573 : i32 to index
          %swap3A_1576 = tpu.vector_load %arg6[%swap3A_1574, %swap3A_1575] {strides = array<i32>} : memref<256x256xf32, #tpu.memory_space<vmem>>, vector<1x16xf32>,
          %swap3A_1577 = vector.shape_cast %swap3A_1576 : vector<1x16xf32> to vector<16xf32>
          %swap3A_1578 = vector.shape_cast %exp3A_1567 : vector<16xf32> to vector<1x16xf32>
          tpu.vector_store %arg6[%swap3A_1574, %swap3A_1575], %swap3A_1578 {strides = array<i32>} : memref<256x256xf32, #tpu.memory_space<vmem>>, vector<1x16xf32>,
          %slice3A_1579 = vector.extract_strided_slice %get3A_1171 {offsets = [10], sizes = [1], strides = [1]} : vector<16xf32> to vector<1xf32>
          %squeeze3A_1580 = vector.extract %slice3A_1579[0] : f32 from vector<1xf32>
          %sub3A_1581 = vector.broadcast %squeeze3A_1580 : f32 to vector<16xf32>
          %sub3A_1582 = arith.subf %sub3A_1581, %get3A_1108 : vector<16xf32>
          %mul3A_1583 = arith.mulf %sub3A_1582, %sub3A_1582 : vector<16xf32>
          %mul3A_1584 = arith.mulf %mul3A_1583, %get3A_1136 : vector<16xf32>
          %slice3A_1585 = vector.extract_strided_slice %get3A_1178 {offsets = [10], sizes = [1], strides = [1]} : vector<16xf32> to vector<1xf32>
          %squeeze3A_1586 = vector.extract %slice3A_1585[0] : f32 from vector<1xf32>
          %sub3A_1587 = vector.broadcast %squeeze3A_1586 : f32 to vector<16xf32>
          %sub3A_1588 = arith.subf %sub3A_1587, %get3A_1115 : vector<16xf32>
          %mul3A_1589 = arith.mulf %sub3A_1588, %sub3A_1588 : vector<16xf32>
          %mul3A_1590 = arith.mulf %mul3A_1589, %get3A_1143 : vector<16xf32>
          %add3A_1591 = arith.addf %mul3A_1584, %mul3A_1590 : vector<16xf32>
          %slice3A_1592 = vector.extract_strided_slice %get3A_1185 {offsets = [10], sizes = [1], strides = [1]} : vector<16xf32> to vector<1xf32>
          %squeeze3A_1593 = vector.extract %slice3A_1592[0] : f32 from vector<1xf32>
          %sub3A_1594 = vector.broadcast %squeeze3A_1593 : f32 to vector<16xf32>
          %sub3A_1595 = arith.subf %sub3A_1594, %get3A_1122 : vector<16xf32>
          %mul3A_1596 = arith.mulf %sub3A_1595, %sub3A_1595 : vector<16xf32>
          %mul3A_1597 = arith.mulf %mul3A_1596, %get3A_1150 : vector<16xf32>
          %add3A_1598 = arith.addf %add3A_1591, %mul3A_1597 : vector<16xf32>
          %slice3A_1599 = vector.extract_strided_slice %get3A_1192 {offsets = [10], sizes = [1], strides = [1]} : vector<16xf32> to vector<1xf32>
          %squeeze3A_1600 = vector.extract %slice3A_1599[0] : f32 from vector<1xf32>
          %sub3A_1601 = vector.broadcast %squeeze3A_1600 : f32 to vector<16xf32>
          %sub3A_1602 = arith.subf %sub3A_1601, %get3A_1129 : vector<16xf32>
          %mul3A_1603 = arith.mulf %sub3A_1602, %sub3A_1602 : vector<16xf32>
          %mul3A_1604 = arith.mulf %mul3A_1603, %get3A_1157 : vector<16xf32>
          %add3A_1605 = arith.addf %add3A_1598, %mul3A_1604 : vector<16xf32>
          %exp3A_1606 = math.exp %add3A_1605 : vector<16xf32>
          %mul3A_1607 = arith.constant 16 : i32
          %mul3A_1608 = arith.muli %scan3A_1164, %mul3A_1607 : i32
          %add3A_1609 = arith.constant 10 : i32
          %add3A_1610 = arith.addi %mul3A_1608, %add3A_1609 : i32
          %mul3A_1611 = arith.constant 16 : i32
          %mul3A_1612 = arith.muli %scan3A_1101, %mul3A_1611 : i32
          %swap3A_1613 = arith.index_cast %add3A_1610 : i32 to index
          %swap3A_1614 = arith.index_cast %mul3A_1612 : i32 to index
          %swap3A_1615 = tpu.vector_load %arg6[%swap3A_1613, %swap3A_1614] {strides = array<i32>} : memref<256x256xf32, #tpu.memory_space<vmem>>, vector<1x16xf32>,
          %swap3A_1616 = vector.shape_cast %swap3A_1615 : vector<1x16xf32> to vector<16xf32>
          %swap3A_1617 = vector.shape_cast %exp3A_1606 : vector<16xf32> to vector<1x16xf32>
          tpu.vector_store %arg6[%swap3A_1613, %swap3A_1614], %swap3A_1617 {strides = array<i32>} : memref<256x256xf32, #tpu.memory_space<vmem>>, vector<1x16xf32>,
          %slice3A_1618 = vector.extract_strided_slice %get3A_1171 {offsets = [11], sizes = [1], strides = [1]} : vector<16xf32> to vector<1xf32>
          %squeeze3A_1619 = vector.extract %slice3A_1618[0] : f32 from vector<1xf32>
          %sub3A_1620 = vector.broadcast %squeeze3A_1619 : f32 to vector<16xf32>
          %sub3A_1621 = arith.subf %sub3A_1620, %get3A_1108 : vector<16xf32>
          %mul3A_1622 = arith.mulf %sub3A_1621, %sub3A_1621 : vector<16xf32>
          %mul3A_1623 = arith.mulf %mul3A_1622, %get3A_1136 : vector<16xf32>
          %slice3A_1624 = vector.extract_strided_slice %get3A_1178 {offsets = [11], sizes = [1], strides = [1]} : vector<16xf32> to vector<1xf32>
          %squeeze3A_1625 = vector.extract %slice3A_1624[0] : f32 from vector<1xf32>
          %sub3A_1626 = vector.broadcast %squeeze3A_1625 : f32 to vector<16xf32>
          %sub3A_1627 = arith.subf %sub3A_1626, %get3A_1115 : vector<16xf32>
          %mul3A_1628 = arith.mulf %sub3A_1627, %sub3A_1627 : vector<16xf32>
          %mul3A_1629 = arith.mulf %mul3A_1628, %get3A_1143 : vector<16xf32>
          %add3A_1630 = arith.addf %mul3A_1623, %mul3A_1629 : vector<16xf32>
          %slice3A_1631 = vector.extract_strided_slice %get3A_1185 {offsets = [11], sizes = [1], strides = [1]} : vector<16xf32> to vector<1xf32>
          %squeeze3A_1632 = vector.extract %slice3A_1631[0] : f32 from vector<1xf32>
          %sub3A_1633 = vector.broadcast %squeeze3A_1632 : f32 to vector<16xf32>
          %sub3A_1634 = arith.subf %sub3A_1633, %get3A_1122 : vector<16xf32>
          %mul3A_1635 = arith.mulf %sub3A_1634, %sub3A_1634 : vector<16xf32>
          %mul3A_1636 = arith.mulf %mul3A_1635, %get3A_1150 : vector<16xf32>
          %add3A_1637 = arith.addf %add3A_1630, %mul3A_1636 : vector<16xf32>
          %slice3A_1638 = vector.extract_strided_slice %get3A_1192 {offsets = [11], sizes = [1], strides = [1]} : vector<16xf32> to vector<1xf32>
          %squeeze3A_1639 = vector.extract %slice3A_1638[0] : f32 from vector<1xf32>
          %sub3A_1640 = vector.broadcast %squeeze3A_1639 : f32 to vector<16xf32>
          %sub3A_1641 = arith.subf %sub3A_1640, %get3A_1129 : vector<16xf32>
          %mul3A_1642 = arith.mulf %sub3A_1641, %sub3A_1641 : vector<16xf32>
          %mul3A_1643 = arith.mulf %mul3A_1642, %get3A_1157 : vector<16xf32>
          %add3A_1644 = arith.addf %add3A_1637, %mul3A_1643 : vector<16xf32>
          %exp3A_1645 = math.exp %add3A_1644 : vector<16xf32>
          %mul3A_1646 = arith.constant 16 : i32
          %mul3A_1647 = arith.muli %scan3A_1164, %mul3A_1646 : i32
          %add3A_1648 = arith.constant 11 : i32
          %add3A_1649 = arith.addi %mul3A_1647, %add3A_1648 : i32
          %mul3A_1650 = arith.constant 16 : i32
          %mul3A_1651 = arith.muli %scan3A_1101, %mul3A_1650 : i32
          %swap3A_1652 = arith.index_cast %add3A_1649 : i32 to index
          %swap3A_1653 = arith.index_cast %mul3A_1651 : i32 to index
          %swap3A_1654 = tpu.vector_load %arg6[%swap3A_1652, %swap3A_1653] {strides = array<i32>} : memref<256x256xf32, #tpu.memory_space<vmem>>, vector<1x16xf32>,
          %swap3A_1655 = vector.shape_cast %swap3A_1654 : vector<1x16xf32> to vector<16xf32>
          %swap3A_1656 = vector.shape_cast %exp3A_1645 : vector<16xf32> to vector<1x16xf32>
          tpu.vector_store %arg6[%swap3A_1652, %swap3A_1653], %swap3A_1656 {strides = array<i32>} : memref<256x256xf32, #tpu.memory_space<vmem>>, vector<1x16xf32>,
          %slice3A_1657 = vector.extract_strided_slice %get3A_1171 {offsets = [12], sizes = [1], strides = [1]} : vector<16xf32> to vector<1xf32>
          %squeeze3A_1658 = vector.extract %slice3A_1657[0] : f32 from vector<1xf32>
          %sub3A_1659 = vector.broadcast %squeeze3A_1658 : f32 to vector<16xf32>
          %sub3A_1660 = arith.subf %sub3A_1659, %get3A_1108 : vector<16xf32>
          %mul3A_1661 = arith.mulf %sub3A_1660, %sub3A_1660 : vector<16xf32>
          %mul3A_1662 = arith.mulf %mul3A_1661, %get3A_1136 : vector<16xf32>
          %slice3A_1663 = vector.extract_strided_slice %get3A_1178 {offsets = [12], sizes = [1], strides = [1]} : vector<16xf32> to vector<1xf32>
          %squeeze3A_1664 = vector.extract %slice3A_1663[0] : f32 from vector<1xf32>
          %sub3A_1665 = vector.broadcast %squeeze3A_1664 : f32 to vector<16xf32>
          %sub3A_1666 = arith.subf %sub3A_1665, %get3A_1115 : vector<16xf32>
          %mul3A_1667 = arith.mulf %sub3A_1666, %sub3A_1666 : vector<16xf32>
          %mul3A_1668 = arith.mulf %mul3A_1667, %get3A_1143 : vector<16xf32>
          %add3A_1669 = arith.addf %mul3A_1662, %mul3A_1668 : vector<16xf32>
          %slice3A_1670 = vector.extract_strided_slice %get3A_1185 {offsets = [12], sizes = [1], strides = [1]} : vector<16xf32> to vector<1xf32>
          %squeeze3A_1671 = vector.extract %slice3A_1670[0] : f32 from vector<1xf32>
          %sub3A_1672 = vector.broadcast %squeeze3A_1671 : f32 to vector<16xf32>
          %sub3A_1673 = arith.subf %sub3A_1672, %get3A_1122 : vector<16xf32>
          %mul3A_1674 = arith.mulf %sub3A_1673, %sub3A_1673 : vector<16xf32>
          %mul3A_1675 = arith.mulf %mul3A_1674, %get3A_1150 : vector<16xf32>
          %add3A_1676 = arith.addf %add3A_1669, %mul3A_1675 : vector<16xf32>
          %slice3A_1677 = vector.extract_strided_slice %get3A_1192 {offsets = [12], sizes = [1], strides = [1]} : vector<16xf32> to vector<1xf32>
          %squeeze3A_1678 = vector.extract %slice3A_1677[0] : f32 from vector<1xf32>
          %sub3A_1679 = vector.broadcast %squeeze3A_1678 : f32 to vector<16xf32>
          %sub3A_1680 = arith.subf %sub3A_1679, %get3A_1129 : vector<16xf32>
          %mul3A_1681 = arith.mulf %sub3A_1680, %sub3A_1680 : vector<16xf32>
          %mul3A_1682 = arith.mulf %mul3A_1681, %get3A_1157 : vector<16xf32>
          %add3A_1683 = arith.addf %add3A_1676, %mul3A_1682 : vector<16xf32>
          %exp3A_1684 = math.exp %add3A_1683 : vector<16xf32>
          %mul3A_1685 = arith.constant 16 : i32
          %mul3A_1686 = arith.muli %scan3A_1164, %mul3A_1685 : i32
          %add3A_1687 = arith.constant 12 : i32
          %add3A_1688 = arith.addi %mul3A_1686, %add3A_1687 : i32
          %mul3A_1689 = arith.constant 16 : i32
          %mul3A_1690 = arith.muli %scan3A_1101, %mul3A_1689 : i32
          %swap3A_1691 = arith.index_cast %add3A_1688 : i32 to index
          %swap3A_1692 = arith.index_cast %mul3A_1690 : i32 to index
          %swap3A_1693 = tpu.vector_load %arg6[%swap3A_1691, %swap3A_1692] {strides = array<i32>} : memref<256x256xf32, #tpu.memory_space<vmem>>, vector<1x16xf32>,
          %swap3A_1694 = vector.shape_cast %swap3A_1693 : vector<1x16xf32> to vector<16xf32>
          %swap3A_1695 = vector.shape_cast %exp3A_1684 : vector<16xf32> to vector<1x16xf32>
          tpu.vector_store %arg6[%swap3A_1691, %swap3A_1692], %swap3A_1695 {strides = array<i32>} : memref<256x256xf32, #tpu.memory_space<vmem>>, vector<1x16xf32>,
          %slice3A_1696 = vector.extract_strided_slice %get3A_1171 {offsets = [13], sizes = [1], strides = [1]} : vector<16xf32> to vector<1xf32>
          %squeeze3A_1697 = vector.extract %slice3A_1696[0] : f32 from vector<1xf32>
          %sub3A_1698 = vector.broadcast %squeeze3A_1697 : f32 to vector<16xf32>
          %sub3A_1699 = arith.subf %sub3A_1698, %get3A_1108 : vector<16xf32>
          %mul3A_1700 = arith.mulf %sub3A_1699, %sub3A_1699 : vector<16xf32>
          %mul3A_1701 = arith.mulf %mul3A_1700, %get3A_1136 : vector<16xf32>
          %slice3A_1702 = vector.extract_strided_slice %get3A_1178 {offsets = [13], sizes = [1], strides = [1]} : vector<16xf32> to vector<1xf32>
          %squeeze3A_1703 = vector.extract %slice3A_1702[0] : f32 from vector<1xf32>
          %sub3A_1704 = vector.broadcast %squeeze3A_1703 : f32 to vector<16xf32>
          %sub3A_1705 = arith.subf %sub3A_1704, %get3A_1115 : vector<16xf32>
          %mul3A_1706 = arith.mulf %sub3A_1705, %sub3A_1705 : vector<16xf32>
          %mul3A_1707 = arith.mulf %mul3A_1706, %get3A_1143 : vector<16xf32>
          %add3A_1708 = arith.addf %mul3A_1701, %mul3A_1707 : vector<16xf32>
          %slice3A_1709 = vector.extract_strided_slice %get3A_1185 {offsets = [13], sizes = [1], strides = [1]} : vector<16xf32> to vector<1xf32>
          %squeeze3A_1710 = vector.extract %slice3A_1709[0] : f32 from vector<1xf32>
          %sub3A_1711 = vector.broadcast %squeeze3A_1710 : f32 to vector<16xf32>
          %sub3A_1712 = arith.subf %sub3A_1711, %get3A_1122 : vector<16xf32>
          %mul3A_1713 = arith.mulf %sub3A_1712, %sub3A_1712 : vector<16xf32>
          %mul3A_1714 = arith.mulf %mul3A_1713, %get3A_1150 : vector<16xf32>
          %add3A_1715 = arith.addf %add3A_1708, %mul3A_1714 : vector<16xf32>
          %slice3A_1716 = vector.extract_strided_slice %get3A_1192 {offsets = [13], sizes = [1], strides = [1]} : vector<16xf32> to vector<1xf32>
          %squeeze3A_1717 = vector.extract %slice3A_1716[0] : f32 from vector<1xf32>
          %sub3A_1718 = vector.broadcast %squeeze3A_1717 : f32 to vector<16xf32>
          %sub3A_1719 = arith.subf %sub3A_1718, %get3A_1129 : vector<16xf32>
          %mul3A_1720 = arith.mulf %sub3A_1719, %sub3A_1719 : vector<16xf32>
          %mul3A_1721 = arith.mulf %mul3A_1720, %get3A_1157 : vector<16xf32>
          %add3A_1722 = arith.addf %add3A_1715, %mul3A_1721 : vector<16xf32>
          %exp3A_1723 = math.exp %add3A_1722 : vector<16xf32>
          %mul3A_1724 = arith.constant 16 : i32
          %mul3A_1725 = arith.muli %scan3A_1164, %mul3A_1724 : i32
          %add3A_1726 = arith.constant 13 : i32
          %add3A_1727 = arith.addi %mul3A_1725, %add3A_1726 : i32
          %mul3A_1728 = arith.constant 16 : i32
          %mul3A_1729 = arith.muli %scan3A_1101, %mul3A_1728 : i32
          %swap3A_1730 = arith.index_cast %add3A_1727 : i32 to index
          %swap3A_1731 = arith.index_cast %mul3A_1729 : i32 to index
          %swap3A_1732 = tpu.vector_load %arg6[%swap3A_1730, %swap3A_1731] {strides = array<i32>} : memref<256x256xf32, #tpu.memory_space<vmem>>, vector<1x16xf32>,
          %swap3A_1733 = vector.shape_cast %swap3A_1732 : vector<1x16xf32> to vector<16xf32>
          %swap3A_1734 = vector.shape_cast %exp3A_1723 : vector<16xf32> to vector<1x16xf32>
          tpu.vector_store %arg6[%swap3A_1730, %swap3A_1731], %swap3A_1734 {strides = array<i32>} : memref<256x256xf32, #tpu.memory_space<vmem>>, vector<1x16xf32>,
          %slice3A_1735 = vector.extract_strided_slice %get3A_1171 {offsets = [14], sizes = [1], strides = [1]} : vector<16xf32> to vector<1xf32>
          %squeeze3A_1736 = vector.extract %slice3A_1735[0] : f32 from vector<1xf32>
          %sub3A_1737 = vector.broadcast %squeeze3A_1736 : f32 to vector<16xf32>
          %sub3A_1738 = arith.subf %sub3A_1737, %get3A_1108 : vector<16xf32>
          %mul3A_1739 = arith.mulf %sub3A_1738, %sub3A_1738 : vector<16xf32>
          %mul3A_1740 = arith.mulf %mul3A_1739, %get3A_1136 : vector<16xf32>
          %slice3A_1741 = vector.extract_strided_slice %get3A_1178 {offsets = [14], sizes = [1], strides = [1]} : vector<16xf32> to vector<1xf32>
          %squeeze3A_1742 = vector.extract %slice3A_1741[0] : f32 from vector<1xf32>
          %sub3A_1743 = vector.broadcast %squeeze3A_1742 : f32 to vector<16xf32>
          %sub3A_1744 = arith.subf %sub3A_1743, %get3A_1115 : vector<16xf32>
          %mul3A_1745 = arith.mulf %sub3A_1744, %sub3A_1744 : vector<16xf32>
          %mul3A_1746 = arith.mulf %mul3A_1745, %get3A_1143 : vector<16xf32>
          %add3A_1747 = arith.addf %mul3A_1740, %mul3A_1746 : vector<16xf32>
          %slice3A_1748 = vector.extract_strided_slice %get3A_1185 {offsets = [14], sizes = [1], strides = [1]} : vector<16xf32> to vector<1xf32>
          %squeeze3A_1749 = vector.extract %slice3A_1748[0] : f32 from vector<1xf32>
          %sub3A_1750 = vector.broadcast %squeeze3A_1749 : f32 to vector<16xf32>
          %sub3A_1751 = arith.subf %sub3A_1750, %get3A_1122 : vector<16xf32>
          %mul3A_1752 = arith.mulf %sub3A_1751, %sub3A_1751 : vector<16xf32>
          %mul3A_1753 = arith.mulf %mul3A_1752, %get3A_1150 : vector<16xf32>
          %add3A_1754 = arith.addf %add3A_1747, %mul3A_1753 : vector<16xf32>
          %slice3A_1755 = vector.extract_strided_slice %get3A_1192 {offsets = [14], sizes = [1], strides = [1]} : vector<16xf32> to vector<1xf32>
          %squeeze3A_1756 = vector.extract %slice3A_1755[0] : f32 from vector<1xf32>
          %sub3A_1757 = vector.broadcast %squeeze3A_1756 : f32 to vector<16xf32>
          %sub3A_1758 = arith.subf %sub3A_1757, %get3A_1129 : vector<16xf32>
          %mul3A_1759 = arith.mulf %sub3A_1758, %sub3A_1758 : vector<16xf32>
          %mul3A_1760 = arith.mulf %mul3A_1759, %get3A_1157 : vector<16xf32>
          %add3A_1761 = arith.addf %add3A_1754, %mul3A_1760 : vector<16xf32>
          %exp3A_1762 = math.exp %add3A_1761 : vector<16xf32>
          %mul3A_1763 = arith.constant 16 : i32
          %mul3A_1764 = arith.muli %scan3A_1164, %mul3A_1763 : i32
          %add3A_1765 = arith.constant 14 : i32
          %add3A_1766 = arith.addi %mul3A_1764, %add3A_1765 : i32
          %mul3A_1767 = arith.constant 16 : i32
          %mul3A_1768 = arith.muli %scan3A_1101, %mul3A_1767 : i32
          %swap3A_1769 = arith.index_cast %add3A_1766 : i32 to index
          %swap3A_1770 = arith.index_cast %mul3A_1768 : i32 to index
          %swap3A_1771 = tpu.vector_load %arg6[%swap3A_1769, %swap3A_1770] {strides = array<i32>} : memref<256x256xf32, #tpu.memory_space<vmem>>, vector<1x16xf32>,
          %swap3A_1772 = vector.shape_cast %swap3A_1771 : vector<1x16xf32> to vector<16xf32>
          %swap3A_1773 = vector.shape_cast %exp3A_1762 : vector<16xf32> to vector<1x16xf32>
          tpu.vector_store %arg6[%swap3A_1769, %swap3A_1770], %swap3A_1773 {strides = array<i32>} : memref<256x256xf32, #tpu.memory_space<vmem>>, vector<1x16xf32>,
          %slice3A_1774 = vector.extract_strided_slice %get3A_1171 {offsets = [15], sizes = [1], strides = [1]} : vector<16xf32> to vector<1xf32>
          %squeeze3A_1775 = vector.extract %slice3A_1774[0] : f32 from vector<1xf32>
          %sub3A_1776 = vector.broadcast %squeeze3A_1775 : f32 to vector<16xf32>
          %sub3A_1777 = arith.subf %sub3A_1776, %get3A_1108 : vector<16xf32>
          %mul3A_1778 = arith.mulf %sub3A_1777, %sub3A_1777 : vector<16xf32>
          %mul3A_1779 = arith.mulf %mul3A_1778, %get3A_1136 : vector<16xf32>
          %slice3A_1780 = vector.extract_strided_slice %get3A_1178 {offsets = [15], sizes = [1], strides = [1]} : vector<16xf32> to vector<1xf32>
          %squeeze3A_1781 = vector.extract %slice3A_1780[0] : f32 from vector<1xf32>
          %sub3A_1782 = vector.broadcast %squeeze3A_1781 : f32 to vector<16xf32>
          %sub3A_1783 = arith.subf %sub3A_1782, %get3A_1115 : vector<16xf32>
          %mul3A_1784 = arith.mulf %sub3A_1783, %sub3A_1783 : vector<16xf32>
          %mul3A_1785 = arith.mulf %mul3A_1784, %get3A_1143 : vector<16xf32>
          %add3A_1786 = arith.addf %mul3A_1779, %mul3A_1785 : vector<16xf32>
          %slice3A_1787 = vector.extract_strided_slice %get3A_1185 {offsets = [15], sizes = [1], strides = [1]} : vector<16xf32> to vector<1xf32>
          %squeeze3A_1788 = vector.extract %slice3A_1787[0] : f32 from vector<1xf32>
          %sub3A_1789 = vector.broadcast %squeeze3A_1788 : f32 to vector<16xf32>
          %sub3A_1790 = arith.subf %sub3A_1789, %get3A_1122 : vector<16xf32>
          %mul3A_1791 = arith.mulf %sub3A_1790, %sub3A_1790 : vector<16xf32>
          %mul3A_1792 = arith.mulf %mul3A_1791, %get3A_1150 : vector<16xf32>
          %add3A_1793 = arith.addf %add3A_1786, %mul3A_1792 : vector<16xf32>
          %slice3A_1794 = vector.extract_strided_slice %get3A_1192 {offsets = [15], sizes = [1], strides = [1]} : vector<16xf32> to vector<1xf32>
          %squeeze3A_1795 = vector.extract %slice3A_1794[0] : f32 from vector<1xf32>
          %sub3A_1796 = vector.broadcast %squeeze3A_1795 : f32 to vector<16xf32>
          %sub3A_1797 = arith.subf %sub3A_1796, %get3A_1129 : vector<16xf32>
          %mul3A_1798 = arith.mulf %sub3A_1797, %sub3A_1797 : vector<16xf32>
          %mul3A_1799 = arith.mulf %mul3A_1798, %get3A_1157 : vector<16xf32>
          %add3A_1800 = arith.addf %add3A_1793, %mul3A_1799 : vector<16xf32>
          %exp3A_1801 = math.exp %add3A_1800 : vector<16xf32>
          %mul3A_1802 = arith.constant 16 : i32
          %mul3A_1803 = arith.muli %scan3A_1164, %mul3A_1802 : i32
          %add3A_1804 = arith.constant 15 : i32
          %add3A_1805 = arith.addi %mul3A_1803, %add3A_1804 : i32
          %mul3A_1806 = arith.constant 16 : i32
          %mul3A_1807 = arith.muli %scan3A_1101, %mul3A_1806 : i32
          %swap3A_1808 = arith.index_cast %add3A_1805 : i32 to index
          %swap3A_1809 = arith.index_cast %mul3A_1807 : i32 to index
          %swap3A_1810 = tpu.vector_load %arg6[%swap3A_1808, %swap3A_1809] {strides = array<i32>} : memref<256x256xf32, #tpu.memory_space<vmem>>, vector<1x16xf32>,
          %swap3A_1811 = vector.shape_cast %swap3A_1810 : vector<1x16xf32> to vector<16xf32>
          %swap3A_1812 = vector.shape_cast %exp3A_1801 : vector<16xf32> to vector<1x16xf32>
          tpu.vector_store %arg6[%swap3A_1808, %swap3A_1809], %swap3A_1812 {strides = array<i32>} : memref<256x256xf32, #tpu.memory_space<vmem>>, vector<1x16xf32>,
        }
        %scan3A_1163 = arith.constant 16 : i32
      }
      %scan3A_1100 = arith.constant 16 : i32
      "tpu.region"() ({
        %run_scoped3A = tpu.sem_alloc : memref<!tpu.dma_semaphore, #tpu.memory_space<semaphore_mem>>
        %dma_start3A = arith.constant 0 : i32
        %dma_start3A_1101 = arith.constant 0 : i32
        %dma_start3A_1102 = tpu.memref_slice %arg3[%add3A_9, %dma_start3A, %dma_start3A_1101] : memref<64x256x256xf32, #tpu.memory_space<hbm>> -> memref<1x256x256xf32, #tpu.memory_space<hbm>>
        %dma_start3A_1103 = tpu.memref_squeeze %dma_start3A_1102 : memref<1x256x256xf32, #tpu.memory_space<hbm>> -> memref<256x256xf32, #tpu.memory_space<hbm>>
        %dma_start3A_1104 = arith.constant 0 : i32
        %dma_start3A_1105 = arith.constant 0 : i32
        %dma_start3A_1106 = tpu.memref_slice %arg3[%add3A_9, %dma_start3A_1104, %dma_start3A_1105] : memref<64x256x256xf32, #tpu.memory_space<hbm>> -> memref<1x256x256xf32, #tpu.memory_space<hbm>>
        %dma_start3A_1107 = tpu.memref_squeeze %dma_start3A_1106 : memref<1x256x256xf32, #tpu.memory_space<hbm>> -> memref<256x256xf32, #tpu.memory_space<hbm>>
        tpu.enqueue_dma source(%arg6 : memref<256x256xf32, #tpu.memory_space<vmem>>) target(%dma_start3A_1107 : memref<256x256xf32, #tpu.memory_space<hbm>>) target_semaphore(%run_scoped3A : memref<!tpu.dma_semaphore, #tpu.memory_space<semaphore_mem>>)
        %dma_wait3A = arith.constant 0 : i32
        %dma_wait3A_1108 = arith.constant 0 : i32
        %dma_wait3A_1109 = tpu.memref_slice %arg3[%add3A_9, %dma_wait3A, %dma_wait3A_1108] : memref<64x256x256xf32, #tpu.memory_space<hbm>> -> memref<1x256x256xf32, #tpu.memory_space<hbm>>
        %dma_wait3A_1110 = tpu.memref_squeeze %dma_wait3A_1109 : memref<1x256x256xf32, #tpu.memory_space<hbm>> -> memref<256x256xf32, #tpu.memory_space<hbm>>
        %dma_wait3A_1111 = arith.constant 0 : i32
        %dma_wait3A_1112 = arith.constant 0 : i32
        %dma_wait3A_1113 = tpu.memref_slice %arg3[%add3A_9, %dma_wait3A_1111, %dma_wait3A_1112] : memref<64x256x256xf32, #tpu.memory_space<hbm>> -> memref<1x256x256xf32, #tpu.memory_space<hbm>>
        %dma_wait3A_1114 = tpu.memref_squeeze %dma_wait3A_1113 : memref<1x256x256xf32, #tpu.memory_space<hbm>> -> memref<256x256xf32, #tpu.memory_space<hbm>>
        tpu.wait_dma2 semaphore(%run_scoped3A : memref<!tpu.dma_semaphore, #tpu.memory_space<semaphore_mem>>) src(%arg6 : memref<256x256xf32, #tpu.memory_space<vmem>>) dst(%dma_wait3A_1114 : memref<256x256xf32, #tpu.memory_space<hbm>>)
        tpu.yield
      }) : () -> ()
    }
    %scan3A_5 = arith.constant 2 : i32
    return
  }
}

</mosaic_0001>

<sc_bundles>
// kernel: kernel.3.cloned.1.call-start
scs
__scs_entry_jumppad:
0x0: {  	(pc) =	sbr.rel $0x88, $3  }
0x1: {  	(tag) =	ssettag $0x0;
	lr =	simm.s32 $0x1  }
0x2: {  	[smem:$0x3F9E] =	sst lr;
	_ =	strace $0xD0000000  }
0x3: {  	_ = 	snop  }
0x4: {  	_ = 	snop  }
0x5: {  	_ = 	snop  }
0x6: {  	_ = 	snop  }
0x7: {  	_ = 	snop  }
__scs_overlays_trampoline_lowered:
0x8: {  	[smem:$0x3FAD] =	sst s0  }
0x9: {  	[smem:$0x3FAE] =	sst s1  }
0xa: {  	[smem:$0x3FAF] =	sst s2  }
0xb: {  	[smem:$0x3FB0] =	sst s3  }
0xc: {  	[smem:$0x3FB1] =	sst s4  }
0xd: {  	[smem:$0x3FB2] =	sst s5  }
0xe: {  	[smem:$0x3FB3] =	sst s6  }
0xf: {  	[smem:$0x3FB4] =	sst s7  }
0x10: {  	[smem:$0x3FB5] =	sst s8  }
0x11: {  	[smem:$0x3FB6] =	sst s9;
	s0 =	simm.s32 @!p0 $0x0  }
0x12: {  	s1 =	sld [smem:$0x3F9C];
	s0 =	simm.s32 @p0 $0x1  }
0x13: {  	[smem:$0x3FB7] =	sst s0;
	s0 =	simm.s32 @!p1 $0x0  }
0x14: {  	s2 =	sld [smem:$0x3F9B];
	s0 =	simm.s32 @p1 $0x1  }
0x15: {  	[smem:$0x3FB8] =	sst s0;
	s0 =	simm.s32 @!p2 $0x0  }
0x16: {  	s3 =	sld [smem:$0x3FDB];
	s0 =	simm.s32 @p2 $0x1  }
0x17: {  	s4 =	simm.s32 $0x1BF5;
	[smem:$0x3FBA] =	sst s0  }
0x18: {  	s0 =	sld [smem:$0x3F9D];
	_ =	swait.ge [sflag:s4], $0x0  }
0x19: {  	s7 =	sld [smem:$0x3F9E]  }
0x1a: {  	s8 =	sadd.s32 $0xFFFFE003, lr  }
0x1b: {  	s9 =	sadd.s32 $0xFFFFFEF7, lr;
	s5 =	simm.s32 $0xFFFFFFFF;
	p2 =	slt.u32 s8, $0xFFFFF086  }
0x1c: {  	p1 =	slt.u32 s9, $0xF7A;
	s5 =	simm.s32 @!p2 $0x0  }
0x1d: {  	s5 =	simm.s32 @p1 $0x1;
	p0 =	seq.s32 s7, s2  }
0x1e: {  	s7 =	smul.u32 @!p0 $0xF7A, s2;
	p2 =	seq.s32 @!p0 s5, $0x0  }
0x1f: {  	s9 =	smul.u32 $0xF7A, s1;
	s8 =	simm.s32 @!p0 $0x1BF5;
	p2 =	por !p2, p0  }
0x20: {  	[sflag:s8] =	ssyncset.s32 @!p0 $0xFFFFF086;
	s6 =	sadd.s32 @!p0 s3, s7;
	s7 =	simm.s32 @!p0 $0x108  }
0x21: {  	s3 =	sadd.s32 s3, s9;
	s6 =	sadd.s32 @!p0 $0x88, s6;
	s7 =	simm.s32 @p2 $0x1082  }
0x22: {  	[simem:s7], [sflag:s8] =	dma.local @!p0 [hbm:s6], $0xF7A  }
0x23: {  	s9 =	sor.u32 $0xD0000000, s2;
	s6 =	simm.s32 $0x108;
	_ =	swait.ge @!p0 [sflag:s8], $0x0  }
0x24: {  	s3 =	sadd.s32 $0x88, s3;
	s6 =	simm.s32 @!p1 $0x1082;
	[sflag:s4] =	ssyncset.s32 $0xFFFFF086  }
0x25: {  	[simem:s6], [sflag:s4] =	dma.local [hbm:s3], $0xF7A  }
0x26: {  	[smem:$0x3F9E] =	sst s1;
	(tag) =	ssettag s2;
	_ =	strace s9  }
0x27: {  	s1 =	sld [smem:$0x3FAE]  }
0x28: {  	s2 =	sld [smem:$0x3FAF]  }
0x29: {  	s4 =	sld [smem:$0x3FB1]  }
0x2a: {  	p0 =	seq.s32 s5, $0x0;
	s5 =	sld [smem:$0x3FB2]  }
0x2b: {  	s6 =	sld [smem:$0x3FB3]  }
0x2c: {  	s7 =	sld [smem:$0x3FB4]  }
0x2d: {  	s3 =	simm.s32 $0x108;
	s8 =	sld [smem:$0x3FB5]  }
0x2e: {  	s3 =	simm.s32 @!p0 $0x1082;
	s9 =	sld [smem:$0x3FB6]  }
0x2f: {  	lr =	sadd.s32 s0, s3;
	s0 =	sld [smem:$0x3FAD]  }
0x30: {  	s3 =	sld [smem:$0x3FB0]  }
0x31: {  	[smem:$0x3FB9] =	sst s10  }
0x32: {  	s10 =	sld [smem:$0x3FB7];
	_ =	sdelay $0x3  }
0x33: {  	p0 =	seq.s32 s10, $0x1;
	s10 =	sld [smem:$0x3FB9];
	_ =	sdelay $0x3  }
0x34: {  	[smem:$0x3FB9] =	sst s10  }
0x35: {  	s10 =	sld [smem:$0x3FB8];
	_ =	sdelay $0x3  }
0x36: {  	p1 =	seq.s32 s10, $0x1;
	s10 =	sld [smem:$0x3FB9];
	_ =	sdelay $0x3  }
0x37: {  	[smem:$0x3FB9] =	sst s10  }
0x38: {  	s10 =	sld [smem:$0x3FBA]  }
0x39: {  	_ = 	snop;
	(pc) =	sbr.ind lr, $3  }
0x3a: {  	_ = 	snop  }
0x3b: {  	_ = 	snop  }
0x3c: {  	p2 =	seq.s32 s10, $0x1;
	s10 =	sld [smem:$0x3FB9]  }
0x3d: {  	_ =	shalt  }
0x3e: {  	_ =	shalt  }
0x3f: {  	_ =	shalt  }
0x40: {  	_ =	shalt  }
0x41: {  	_ =	shalt  }
0x42: {  	_ =	shalt  }
0x43: {  	_ =	shalt  }
0x44: {  	_ =	shalt  }
0x45: {  	_ =	shalt  }
0x46: {  	_ =	shalt  }
0x47: {  	_ =	shalt  }
0x48: {  	_ =	shalt  }
0x49: {  	_ =	shalt  }
0x4a: {  	_ =	shalt  }
0x4b: {  	_ =	shalt  }
0x4c: {  	_ =	shalt  }
0x4d: {  	_ =	shalt  }
0x4e: {  	_ =	shalt  }
0x4f: {  	_ =	shalt  }
0x50: {  	_ =	shalt  }
0x51: {  	_ =	shalt  }
0x52: {  	_ =	shalt  }
0x53: {  	_ =	shalt  }
0x54: {  	_ =	shalt  }
0x55: {  	_ =	shalt  }
0x56: {  	_ =	shalt  }
0x57: {  	_ =	shalt  }
0x58: {  	_ =	shalt  }
0x59: {  	_ =	shalt  }
0x5a: {  	_ =	shalt  }
0x5b: {  	_ =	shalt  }
0x5c: {  	_ =	shalt  }
0x5d: {  	_ =	shalt  }
0x5e: {  	_ =	shalt  }
0x5f: {  	_ =	shalt  }
0x60: {  	_ =	shalt  }
0x61: {  	_ =	shalt  }
0x62: {  	_ =	shalt  }
0x63: {  	_ =	shalt  }
0x64: {  	_ =	shalt  }
0x65: {  	_ =	shalt  }
0x66: {  	_ =	shalt  }
0x67: {  	_ =	shalt  }
0x68: {  	_ =	shalt  }
0x69: {  	_ =	shalt  }
0x6a: {  	_ =	shalt  }
0x6b: {  	_ =	shalt  }
0x6c: {  	_ =	shalt  }
0x6d: {  	_ =	shalt  }
0x6e: {  	_ =	shalt  }
0x6f: {  	_ =	shalt  }
0x70: {  	_ =	shalt  }
0x71: {  	_ =	shalt  }
0x72: {  	_ =	shalt  }
0x73: {  	_ =	shalt  }
0x74: {  	_ =	shalt  }
0x75: {  	_ =	shalt  }
0x76: {  	_ =	shalt  }
0x77: {  	_ =	shalt  }
0x78: {  	_ =	shalt  }
0x79: {  	_ =	shalt  }
0x7a: {  	_ =	shalt  }
0x7b: {  	_ =	shalt  }
0x7c: {  	_ =	shalt  }
0x7d: {  	_ =	shalt  }
0x7e: {  	_ =	shalt  }
0x7f: {  	_ =	shalt  }
0x80: {  	_ =	shalt  }
0x81: {  	_ =	shalt  }
0x82: {  	_ =	shalt  }
0x83: {  	_ =	shalt  }
0x84: {  	_ =	shalt  }
0x85: {  	_ =	shalt  }
0x86: {  	_ =	shalt  }
0x87: {  	_ =	shalt  }
.Lfunc_end0:
.L_simem_size_0:
called_computation_lowered:
.L_overlay_start_0:
0x88: {  	s2 =	sld [smem:$0x3FD9]  }
0x89: {  	s3 =	sld [smem:$0x3FFE];
	_ =	sdelay $0x1  }
0x8a: {  	s1 =	srdreg.scid  }
0x8b: {  	s0 =	sand.u32 $0x1, s1  }
0x8c: {  	s17 =	sshll.u32 s0, $0xA;
	s2 =	sadd.s32 s3, s2  }
0x8d: {  	s2 =	sadd.s32 s2, s17  }
0x8e: {  	[smem:$0x3FC5] =	sst s2  }
0x8f: {  	_ = 	snop  }
0x90: {  	s2 =	sld [smem:$0x3FD0];
	(tm) =	ssettm $0x1  }
0x91: {  	s18 =	sld [smem:$0x3FFB];
	_ =	sdelay $0x3  }
0x92: {  	_ =	strace s18  }
0x93: {  	s3 =	sld [smem:$0x3FFC];
	_ =	sdelay $0x3  }
0x94: {  	_ =	strace s3  }
0x95: {  	s3 =	sld [smem:$0x3FFD];
	_ =	sdelay $0x3  }
0x96: {  	_ =	strace s3  }
0x97: {  	_ =	strace $0x8FFFFFFF  }
0x98: {  	s19 =	sld [smem:$0x3FDB];
	_ =	sdelay $0x1  }
0x99: {  	s4 =	simm.s32 $_scs_section_size  }
0x9a: {  	s5 =	simm.s32 $_size__tile_overlayer_lowered;
	s6 =	simm.s32 $_tile_overlayer_lowered  }
0x9b: {  	s22 =	simm.s32 $0x1BFF;
	s21 =	sshll.u32 s6, $0x1;
	s3 =	sadd.s32 s4, s19  }
0x9c: {  	s7 =	simm.s32 $0x0;
	s20 =	sshll.u32 s5, $0x1;
	s5 =	sadd.s32 s21, s3  }
0x9d: {  	[timem:s7], [sflag:s22] =	dma.local [hbm:s5], s20  }
0x9e: {  	_ =	swait.ge [sflag:s22], s20  }
0x9f: {  	s4 =	ssub.s32 $0x0, s20;
	[sflag:s22] =	ssyncset.done $0x0  }
0xa0: {  	[sflag:s22] =	ssyncadd.s32 s4;
	_ =	sdelay $0x1  }
0xa1: {  	s23 =	simm.s32 $0x1B8B  }
0xa2: {  	_ =	swait.ge [sflag:s23], $0x1  }
0xa3: {  	[sflag:s23] =	ssyncset.done $0x0  }
0xa4: {  	s25 =	simm.s32 $0x1B8E;
	s24 =	sld [smem:$0x3FFE];
	[sflag:s23] =	ssyncadd.s32 $0xFFFFFFFF  }
0xa5: {  	s26 =	simm.s32 $execute0_lowered;
	[smem:$0x3FD2] =	sst s25  }
0xa6: {  	s5 =	sshll.u32 s26, $0x1;
	_ =	strace $0x80000046;
	[dreg:$0x1] =	wrdreg $0xFFFFFFFF  }
0xa7: {  	s28 =	simm.s32 $_size_execute0_lowered;
	s3 =	sadd.s32 s3, s5;
	[dreg:$0x0] =	wrdreg $0x0  }
0xa8: {  	s5 =	sshll.u32 s28, $0x1;
	[dreg:$0x2] =	wrdreg s3  }
0xa9: {  	[dreg:$0x3] =	wrdreg s5  }
0xaa: {  	[dreg:$0x4] =	wrdreg $0xC0  }
0xab: {  	_ =	task [dreg:s7], $0x5FFFF  }
0xac: {  	[dreg:$0x1] =	wrdreg $0xFFFFFFFF  }
0xad: {  	[dreg:$0x0] =	wrdreg $0x60  }
0xae: {  	[dreg:$0x2] =	wrdreg s24  }
0xaf: {  	[dreg:$0x3] =	wrdreg s2  }
0xb0: {  	[dreg:$0x4] =	wrdreg $0x9  }
0xb1: {  	_ =	task.clear_ibuf [dreg:s7], $0x5FFFF;
	_ =	strace $0x90000046  }
0xb2: {  	s29 =	simm.s32 $0x9;
	_ =	strace $0x80000048  }
0xb3: {  	_ =	swait.ge [sflag:s29], $0x1  }
0xb4: {  	[sflag:s29] =	ssyncadd.s32 $0xFFFFFFFF  }
0xb5: {  	_ =	strace $0x90000048  }
0xb6: {  	_ =	sfence  }
0xb7: {  	s30 =	sld [smem:$0x0];
	_ =	sdelay $0x2  }
0xb8: {  	s31 =	sshll.u32 s1, $0xD;
	s1 =	sshrl.u32 s1, $0x2  }
0xb9: {  	s3 =	sand.u32 $0x4000, s31;
	s1 =	sadd.s32 s1, s30  }
0xba: {  	s0 =	sor.u32 s3, s0;
	s1 =	sshll.u32 s1, $0x11  }
0xbb: {  	s0 =	sor.u32 s1, s0  }
0xbc: {  	s0 =	sadd.s32 $0x8F2B, s0  }
0xbd: {  	[sflag:s0] =	ssyncadd.remote.s32 $0x1  }
0xbe: {  	_ =	sfence.sel $0xFFFF  }
0xbf: {  	[dreg:$0x0] =	wrdreg $0xFFFFFFFF;
	(pc) =	sbr.abs _section_cstart, $3  }
0xc0: {  	[dreg:$0x1] =	wrdreg $0xFFFFFFFF  }
0xc1: {  	_ =	task.clear_ibuf [dreg:s7], $0x2FFFF;
	_ =	strace $0x9FFFFFFF  }
0xc2: {  	(tm) =	ssettm $0x7FFFFFFF  }
0xc3: {  	_ =	shalt  }
tec
execute0_lowered:
.L_overlay_start_1:
0x0: {  	(tag) =	ssettag $0x1  }
0x1: {  	s4 =	rddreg [dreg:$0x0]  }
0x2: {  	s1 =	rddreg [dreg:$0x1]  }
0x3: {  	s3 =	srdreg.scid;
	s0 =	rddreg [dreg:$0x2];
	s2 =	simm.s32 $0x0  }
0x4: {  	s8 =	simm.s32 $0x1400;
	s9 =	simm.s32 $0x0;
	s5 =	sand.u32 $0x1, s3  }
0x5: {  	[smem:$0x7FF] =	sst s2;
	s3 =	stileid.u32;
	s6 =	ssub.s32 $0x2, s5  }
0x6: {  	s4 =	sadd.s32 $0x400, s4;
	_ =	strace $0x80000047;
	s7 =	sshrl.u32 s6, $0x1  }
0x7: {  	s31 =	sshll.u32 s3, $0x2;
	s5 =	sshll.u32 s5, $0x1;
	s6 =	ssub.s32 s6, s7  }
0x8: {  	s5 =	sor.u32 s5, s31;
	s7 =	simm.s32 $0x1;
	s6 =	smax.u32 s6, $0x1  }
.LBB2_1:
0x9: {  	p1 =	por $0x1, $0x1;
	s10 =	simm.s32 $0x0  }
.LBB2_2:
0xa: {  	s10 =	sor.u32 s5, s10  }
0xb: {  	s11 =	sshll.u32 s10, $0x9  }
0xc: {  	s12 =	sadd.s32 s4, s11;
	s11 =	simm.s32 $0x0  }
0xd: {  	[tilespmem:s11], [sflag:$0x1] =	stream.linear.gather [hbm4b:s12+s11], $0x1000, $0x38;
	[tilespmem:$0x11400] =	vst v63  }
0xe: {  	_ =	swait.ge [sflag:s7], $0x1000  }
0xf: {  	[sflag:s7] =	ssyncset.done $0x0  }
0x10: {  	[sflag:s7] =	ssyncadd.s32 $0xFFFFF000  }
0x11: {  	v0 =	vld [tilespmem:$0x800]  }
0x12: {  	v1 =	vld [tilespmem:$0x810]  }
0x13: {  	v2 =	vld [tilespmem:$0x820]  }
0x14: {  	v3 =	vld [tilespmem:$0x830]  }
0x15: {  	v4 =	vld [tilespmem:$0x840]  }
0x16: {  	v5 =	vld [tilespmem:$0x850];
	v0 =	vadd.f32 $9.999999970e-07, v0  }
0x17: {  	v6 =	vld [tilespmem:$0x860];
	v1 =	vadd.f32 $9.999999970e-07, v1  }
0x18: {  	v39 =	vld [tilespmem:$0x870];
	v38 =	vadd.f32 $9.999999970e-07, v2;
	(erf) = vrcp.f32 v0  }
0x19: {  	v41 =	vld [tilespmem:$0xC00];
	v40 =	vadd.f32 $9.999999970e-07, v3;
	(erf) = vrcp.f32 v1  }
0x1a: {  	v43 =	vld [tilespmem:$0xC10];
	v42 =	vadd.f32 $9.999999970e-07, v4;
	(erf) = vrcp.f32 v38  }
0x1b: {  	v45 =	vld [tilespmem:$0xC20];
	v44 =	vadd.f32 $9.999999970e-07, v5;
	(erf) = vrcp.f32 v40  }
0x1c: {  	v47 =	vld [tilespmem:$0xC30];
	v46 =	vadd.f32 $9.999999970e-07, v6;
	(erf) = vrcp.f32 v42  }
0x1d: {  	v49 =	vld [tilespmem:$0xC40];
	v48 =	vadd.f32 $9.999999970e-07, v39;
	(erf) = vrcp.f32 v44  }
0x1e: {  	v51 =	vld [tilespmem:$0xC50];
	v50 =	vadd.f32 $9.999999970e-07, v41;
	(erf) = vrcp.f32 v46  }
0x1f: {  	v53 =	vld [tilespmem:$0xC60];
	v52 =	vadd.f32 $9.999999970e-07, v43;
	(erf) = vrcp.f32 v48  }
0x20: {  	v55 =	vld [tilespmem:$0xC70];
	v54 =	vadd.f32 $9.999999970e-07, v45;
	(erf) = vrcp.f32 v50  }
0x21: {  	v57 =	vld [tilespmem:$0x880];
	v56 =	vadd.f32 $9.999999970e-07, v47;
	v7 =	vpop (erf);
	(erf) = vrcp.f32 v52  }
0x22: {  	v59 =	vld [tilespmem:$0x890];
	v58 =	vadd.f32 $9.999999970e-07, v49;
	v7 =	vmul.f32 $-5.000000000e-01, v7;
	v8 =	vpop (erf);
	(erf) = vrcp.f32 v54  }
0x23: {  	v61 =	vld [tilespmem:$0x8A0];
	v60 =	vadd.f32 $9.999999970e-07, v51;
	v8 =	vmul.f32 $-5.000000000e-01, v8;
	v9 =	vpop (erf);
	(erf) = vrcp.f32 v56  }
0x24: {  	v13 =	vld [tilespmem:$0x8B0];
	v12 =	vadd.f32 $9.999999970e-07, v53;
	[tilespmem:$0x1000] =	vst v7;
	v62 =	vmul.f32 $-5.000000000e-01, v9;
	v63 =	vpop (erf);
	(erf) = vrcp.f32 v58  }
0x25: {  	v17 =	vld [tilespmem:$0x8C0];
	v16 =	vadd.f32 $9.999999970e-07, v55;
	[tilespmem:$0x1010] =	vst v8;
	v14 =	vmul.f32 $-5.000000000e-01, v63;
	v15 =	vpop (erf);
	(erf) = vrcp.f32 v60  }
0x26: {  	v21 =	vld [tilespmem:$0x8D0];
	v20 =	vadd.f32 $9.999999970e-07, v57;
	[tilespmem:$0x1020] =	vst v62;
	v18 =	vmul.f32 $-5.000000000e-01, v15;
	v19 =	vpop (erf);
	(erf) = vrcp.f32 v12  }
0x27: {  	v25 =	vld [tilespmem:$0x8E0];
	v24 =	vadd.f32 $9.999999970e-07, v59;
	[tilespmem:$0x1030] =	vst v14;
	v22 =	vmul.f32 $-5.000000000e-01, v19;
	v23 =	vpop (erf);
	(erf) = vrcp.f32 v16  }
0x28: {  	v29 =	vld [tilespmem:$0x8F0];
	v28 =	vadd.f32 $9.999999970e-07, v61;
	[tilespmem:$0x1040] =	vst v18;
	v26 =	vmul.f32 $-5.000000000e-01, v23;
	v27 =	vpop (erf);
	(erf) = vrcp.f32 v20  }
0x29: {  	v33 =	vld [tilespmem:$0xC80];
	v32 =	vadd.f32 $9.999999970e-07, v13;
	[tilespmem:$0x1050] =	vst v22;
	v30 =	vmul.f32 $-5.000000000e-01, v27;
	v31 =	vpop (erf);
	(erf) = vrcp.f32 v24  }
0x2a: {  	v37 =	vld [tilespmem:$0xC90];
	v36 =	vadd.f32 $9.999999970e-07, v17;
	[tilespmem:$0x1060] =	vst v26;
	v34 =	vmul.f32 $-5.000000000e-01, v31;
	v35 =	vpop (erf);
	(erf) = vrcp.f32 v28  }
0x2b: {  	v41 =	vld [tilespmem:$0xCA0];
	v40 =	vadd.f32 $9.999999970e-07, v21;
	[tilespmem:$0x1070] =	vst v30;
	v38 =	vmul.f32 $-5.000000000e-01, v35;
	v39 =	vpop (erf);
	(erf) = vrcp.f32 v32  }
0x2c: {  	v45 =	vld [tilespmem:$0xCB0];
	v44 =	vadd.f32 $9.999999970e-07, v25;
	[tilespmem:$0x1200] =	vst v34;
	v42 =	vmul.f32 $-5.000000000e-01, v39;
	v43 =	vpop (erf);
	(erf) = vrcp.f32 v36  }
0x2d: {  	v49 =	vld [tilespmem:$0xCC0];
	v48 =	vadd.f32 $9.999999970e-07, v29;
	[tilespmem:$0x1210] =	vst v38;
	v46 =	vmul.f32 $-5.000000000e-01, v43;
	v47 =	vpop (erf);
	(erf) = vrcp.f32 v40  }
0x2e: {  	v53 =	vld [tilespmem:$0xCD0];
	v52 =	vadd.f32 $9.999999970e-07, v33;
	[tilespmem:$0x1220] =	vst v42;
	v50 =	vmul.f32 $-5.000000000e-01, v47;
	v51 =	vpop (erf);
	(erf) = vrcp.f32 v44  }
0x2f: {  	v57 =	vld [tilespmem:$0xCE0];
	v56 =	vadd.f32 $9.999999970e-07, v37;
	[tilespmem:$0x1230] =	vst v46;
	v54 =	vmul.f32 $-5.000000000e-01, v51;
	v55 =	vpop (erf);
	(erf) = vrcp.f32 v48  }
0x30: {  	v61 =	vld [tilespmem:$0xCF0];
	v60 =	vadd.f32 $9.999999970e-07, v41;
	[tilespmem:$0x1240] =	vst v50;
	v58 =	vmul.f32 $-5.000000000e-01, v55;
	v59 =	vpop (erf);
	(erf) = vrcp.f32 v52  }
0x31: {  	v13 =	vld [tilespmem:$0x900];
	v12 =	vadd.f32 $9.999999970e-07, v45;
	[tilespmem:$0x1250] =	vst v54;
	v62 =	vmul.f32 $-5.000000000e-01, v59;
	v63 =	vpop (erf);
	(erf) = vrcp.f32 v56  }
0x32: {  	v17 =	vld [tilespmem:$0x910];
	v16 =	vadd.f32 $9.999999970e-07, v49;
	[tilespmem:$0x1260] =	vst v58;
	v14 =	vmul.f32 $-5.000000000e-01, v63;
	v15 =	vpop (erf);
	(erf) = vrcp.f32 v60  }
0x33: {  	v21 =	vld [tilespmem:$0x920];
	v20 =	vadd.f32 $9.999999970e-07, v53;
	[tilespmem:$0x1270] =	vst v62;
	v18 =	vmul.f32 $-5.000000000e-01, v15;
	v19 =	vpop (erf);
	(erf) = vrcp.f32 v12  }
0x34: {  	v25 =	vld [tilespmem:$0x930];
	v24 =	vadd.f32 $9.999999970e-07, v57;
	[tilespmem:$0x1080] =	vst v14;
	v22 =	vmul.f32 $-5.000000000e-01, v19;
	v23 =	vpop (erf);
	(erf) = vrcp.f32 v16  }
0x35: {  	v29 =	vld [tilespmem:$0x940];
	v28 =	vadd.f32 $9.999999970e-07, v61;
	[tilespmem:$0x1090] =	vst v18;
	v26 =	vmul.f32 $-5.000000000e-01, v23;
	v27 =	vpop (erf);
	(erf) = vrcp.f32 v20  }
0x36: {  	v33 =	vld [tilespmem:$0x950];
	v32 =	vadd.f32 $9.999999970e-07, v13;
	[tilespmem:$0x10A0] =	vst v22;
	v30 =	vmul.f32 $-5.000000000e-01, v27;
	v31 =	vpop (erf);
	(erf) = vrcp.f32 v24  }
0x37: {  	v37 =	vld [tilespmem:$0x960];
	v36 =	vadd.f32 $9.999999970e-07, v17;
	[tilespmem:$0x10B0] =	vst v26;
	v34 =	vmul.f32 $-5.000000000e-01, v31;
	v35 =	vpop (erf);
	(erf) = vrcp.f32 v28  }
0x38: {  	v41 =	vld [tilespmem:$0x970];
	v40 =	vadd.f32 $9.999999970e-07, v21;
	[tilespmem:$0x10C0] =	vst v30;
	v38 =	vmul.f32 $-5.000000000e-01, v35;
	v39 =	vpop (erf);
	(erf) = vrcp.f32 v32  }
0x39: {  	v45 =	vld [tilespmem:$0xD00];
	v44 =	vadd.f32 $9.999999970e-07, v25;
	[tilespmem:$0x10D0] =	vst v34;
	v42 =	vmul.f32 $-5.000000000e-01, v39;
	v43 =	vpop (erf);
	(erf) = vrcp.f32 v36  }
0x3a: {  	v49 =	vld [tilespmem:$0xD10];
	v48 =	vadd.f32 $9.999999970e-07, v29;
	[tilespmem:$0x10E0] =	vst v38;
	v46 =	vmul.f32 $-5.000000000e-01, v43;
	v47 =	vpop (erf);
	(erf) = vrcp.f32 v40  }
0x3b: {  	v53 =	vld [tilespmem:$0xD20];
	v52 =	vadd.f32 $9.999999970e-07, v33;
	[tilespmem:$0x10F0] =	vst v42;
	v50 =	vmul.f32 $-5.000000000e-01, v47;
	v51 =	vpop (erf);
	(erf) = vrcp.f32 v44  }
0x3c: {  	v57 =	vld [tilespmem:$0xD30];
	v56 =	vadd.f32 $9.999999970e-07, v37;
	[tilespmem:$0x1280] =	vst v46;
	v54 =	vmul.f32 $-5.000000000e-01, v51;
	v55 =	vpop (erf);
	(erf) = vrcp.f32 v48  }
0x3d: {  	v61 =	vld [tilespmem:$0xD40];
	v60 =	vadd.f32 $9.999999970e-07, v41;
	[tilespmem:$0x1290] =	vst v50;
	v58 =	vmul.f32 $-5.000000000e-01, v55;
	v59 =	vpop (erf);
	(erf) = vrcp.f32 v52  }
0x3e: {  	v13 =	vld [tilespmem:$0xD50];
	v12 =	vadd.f32 $9.999999970e-07, v45;
	[tilespmem:$0x12A0] =	vst v54;
	v62 =	vmul.f32 $-5.000000000e-01, v59;
	v63 =	vpop (erf);
	(erf) = vrcp.f32 v56  }
0x3f: {  	v17 =	vld [tilespmem:$0xD60];
	v16 =	vadd.f32 $9.999999970e-07, v49;
	[tilespmem:$0x12B0] =	vst v58;
	v14 =	vmul.f32 $-5.000000000e-01, v63;
	v15 =	vpop (erf);
	(erf) = vrcp.f32 v60  }
0x40: {  	v21 =	vld [tilespmem:$0xD70];
	v20 =	vadd.f32 $9.999999970e-07, v53;
	[tilespmem:$0x12C0] =	vst v62;
	v18 =	vmul.f32 $-5.000000000e-01, v15;
	v19 =	vpop (erf);
	(erf) = vrcp.f32 v12  }
0x41: {  	v25 =	vld [tilespmem:$0x980];
	v24 =	vadd.f32 $9.999999970e-07, v57;
	[tilespmem:$0x12D0] =	vst v14;
	v22 =	vmul.f32 $-5.000000000e-01, v19;
	v23 =	vpop (erf);
	(erf) = vrcp.f32 v16  }
0x42: {  	v29 =	vld [tilespmem:$0x990];
	v28 =	vadd.f32 $9.999999970e-07, v61;
	[tilespmem:$0x12E0] =	vst v18;
	v26 =	vmul.f32 $-5.000000000e-01, v23;
	v27 =	vpop (erf);
	(erf) = vrcp.f32 v20  }
0x43: {  	v33 =	vld [tilespmem:$0x9A0];
	v32 =	vadd.f32 $9.999999970e-07, v13;
	[tilespmem:$0x12F0] =	vst v22;
	v30 =	vmul.f32 $-5.000000000e-01, v27;
	v31 =	vpop (erf);
	(erf) = vrcp.f32 v24  }
0x44: {  	v37 =	vld [tilespmem:$0x9B0];
	v36 =	vadd.f32 $9.999999970e-07, v17;
	[tilespmem:$0x1100] =	vst v26;
	v34 =	vmul.f32 $-5.000000000e-01, v31;
	v35 =	vpop (erf);
	(erf) = vrcp.f32 v28  }
0x45: {  	v41 =	vld [tilespmem:$0x9C0];
	v40 =	vadd.f32 $9.999999970e-07, v21;
	[tilespmem:$0x1110] =	vst v30;
	v38 =	vmul.f32 $-5.000000000e-01, v35;
	v39 =	vpop (erf);
	(erf) = vrcp.f32 v32  }
0x46: {  	v45 =	vld [tilespmem:$0x9D0];
	v44 =	vadd.f32 $9.999999970e-07, v25;
	[tilespmem:$0x1120] =	vst v34;
	v42 =	vmul.f32 $-5.000000000e-01, v39;
	v43 =	vpop (erf);
	(erf) = vrcp.f32 v36  }
0x47: {  	v49 =	vld [tilespmem:$0x9E0];
	v48 =	vadd.f32 $9.999999970e-07, v29;
	[tilespmem:$0x1130] =	vst v38;
	v46 =	vmul.f32 $-5.000000000e-01, v43;
	v47 =	vpop (erf);
	(erf) = vrcp.f32 v40  }
0x48: {  	v53 =	vld [tilespmem:$0x9F0];
	v52 =	vadd.f32 $9.999999970e-07, v33;
	[tilespmem:$0x1140] =	vst v42;
	v50 =	vmul.f32 $-5.000000000e-01, v47;
	v51 =	vpop (erf);
	(erf) = vrcp.f32 v44  }
0x49: {  	v57 =	vld [tilespmem:$0xD80];
	v56 =	vadd.f32 $9.999999970e-07, v37;
	[tilespmem:$0x1150] =	vst v46;
	v54 =	vmul.f32 $-5.000000000e-01, v51;
	v55 =	vpop (erf);
	(erf) = vrcp.f32 v48  }
0x4a: {  	v61 =	vld [tilespmem:$0xD90];
	v60 =	vadd.f32 $9.999999970e-07, v41;
	[tilespmem:$0x1160] =	vst v50;
	v58 =	vmul.f32 $-5.000000000e-01, v55;
	v59 =	vpop (erf);
	(erf) = vrcp.f32 v52  }
0x4b: {  	v13 =	vld [tilespmem:$0xDA0];
	v12 =	vadd.f32 $9.999999970e-07, v45;
	[tilespmem:$0x1170] =	vst v54;
	v62 =	vmul.f32 $-5.000000000e-01, v59;
	v63 =	vpop (erf);
	(erf) = vrcp.f32 v56  }
0x4c: {  	v17 =	vld [tilespmem:$0xDB0];
	v16 =	vadd.f32 $9.999999970e-07, v49;
	[tilespmem:$0x1300] =	vst v58;
	v14 =	vmul.f32 $-5.000000000e-01, v63;
	v15 =	vpop (erf);
	(erf) = vrcp.f32 v60  }
0x4d: {  	v21 =	vld [tilespmem:$0xDC0];
	v20 =	vadd.f32 $9.999999970e-07, v53;
	[tilespmem:$0x1310] =	vst v62;
	v18 =	vmul.f32 $-5.000000000e-01, v15;
	v19 =	vpop (erf);
	(erf) = vrcp.f32 v12  }
0x4e: {  	v25 =	vld [tilespmem:$0xDD0];
	v24 =	vadd.f32 $9.999999970e-07, v57;
	[tilespmem:$0x1320] =	vst v14;
	v22 =	vmul.f32 $-5.000000000e-01, v19;
	v23 =	vpop (erf);
	(erf) = vrcp.f32 v16  }
0x4f: {  	v29 =	vld [tilespmem:$0xDE0];
	v28 =	vadd.f32 $9.999999970e-07, v61;
	[tilespmem:$0x1330] =	vst v18;
	v26 =	vmul.f32 $-5.000000000e-01, v23;
	v27 =	vpop (erf);
	(erf) = vrcp.f32 v20  }
0x50: {  	v33 =	vld [tilespmem:$0xDF0];
	v32 =	vadd.f32 $9.999999970e-07, v13;
	[tilespmem:$0x1340] =	vst v22;
	v30 =	vmul.f32 $-5.000000000e-01, v27;
	v31 =	vpop (erf);
	(erf) = vrcp.f32 v24  }
0x51: {  	v4 =	vadd.f32 $9.999999970e-07, v17;
	[tilespmem:$0x1350] =	vst v26;
	v34 =	vpop (erf);
	(erf) = vrcp.f32 v28;
	v35 =	vmul.f32 $-5.000000000e-01, v31  }
0x52: {  	v5 =	vadd.f32 $9.999999970e-07, v21;
	[tilespmem:$0x1360] =	vst v30;
	v36 =	vpop (erf);
	(erf) = vrcp.f32 v32;
	v37 =	vmul.f32 $-5.000000000e-01, v34  }
0x53: {  	v6 =	vadd.f32 $9.999999970e-07, v25;
	[tilespmem:$0x1370] =	vst v35;
	v38 =	vpop (erf);
	(erf) = vrcp.f32 v4;
	v39 =	vmul.f32 $-5.000000000e-01, v36  }
0x54: {  	v2 =	vadd.f32 $9.999999970e-07, v29;
	[tilespmem:$0x1180] =	vst v37;
	v40 =	vpop (erf);
	(erf) = vrcp.f32 v5;
	v1 =	vmul.f32 $-5.000000000e-01, v38  }
0x55: {  	v3 =	vadd.f32 $9.999999970e-07, v33;
	[tilespmem:$0x1190] =	vst v39;
	v41 =	vpop (erf);
	(erf) = vrcp.f32 v6;
	v0 =	vmul.f32 $-5.000000000e-01, v40  }
0x56: {  	[tilespmem:$0x11A0] =	vst v1;
	v42 =	vpop (erf);
	(erf) = vrcp.f32 v2;
	v43 =	vmul.f32 $-5.000000000e-01, v41  }
0x57: {  	[tilespmem:$0x11B0] =	vst v0;
	v44 =	vmul.f32 $-5.000000000e-01, v42;
	v45 =	vpop (erf);
	(erf) = vrcp.f32 v3  }
0x58: {  	v46 =	vpop (erf);
	[tilespmem:$0x11C0] =	vst v43;
	v1 =	vmul.f32 $-5.000000000e-01, v45  }
0x59: {  	v47 =	vpop (erf);
	[tilespmem:$0x11D0] =	vst v44;
	v48 =	vmul.f32 $-5.000000000e-01, v46  }
0x5a: {  	v49 =	vpop (erf);
	[tilespmem:$0x11E0] =	vst v1;
	v50 =	vmul.f32 $-5.000000000e-01, v47  }
0x5b: {  	v51 =	vpop (erf);
	[tilespmem:$0x11F0] =	vst v48;
	v52 =	vmul.f32 $-5.000000000e-01, v49  }
0x5c: {  	v53 =	vpop (erf);
	[tilespmem:$0x1380] =	vst v50;
	v54 =	vmul.f32 $-5.000000000e-01, v51  }
0x5d: {  	v55 =	vpop (erf);
	[tilespmem:$0x1390] =	vst v52;
	v56 =	vmul.f32 $-5.000000000e-01, v53  }
0x5e: {  	v57 =	vpop (erf);
	[tilespmem:$0x13A0] =	vst v54;
	v58 =	vmul.f32 $-5.000000000e-01, v55  }
0x5f: {  	v59 =	vpop (erf);
	[tilespmem:$0x13B0] =	vst v56;
	v60 =	vmul.f32 $-5.000000000e-01, v57  }
0x60: {  	[tilespmem:$0x13C0] =	vst v58;
	v61 =	vmul.f32 $-5.000000000e-01, v59;
	v62 =	vpop (erf)  }
0x61: {  	[tilespmem:$0x13D0] =	vst v60;
	v63 =	vmul.f32 $-5.000000000e-01, v62  }
0x62: {  	[tilespmem:$0x13E0] =	vst v61  }
0x63: {  	p0 =	por p1, p1;
	s12 =	simm.s32 $0x0;
	[tilespmem:$0x13F0] =	vst v63  }
.LBB2_3:
0x64: {  	s13 =	sshrl.u32 s12, $0x3;
	s14 =	sshll.u32 s12, $0x4  }
0x65: {  	s14 =	sand.u32 $0x70, s14;
	s15 =	sshll.u32 s13, $0xA  }
0x66: {  	s15 =	sor.u32 s14, s15  }
0x67: {  	v0 =	vld [tilespmem:s15+$0x200]  }
0x68: {  	s16 =	sshll.u32 s12, $0x6;
	v1 =	vld [tilespmem:s15+$0x280]  }
0x69: {  	s16 =	sand.u32 $0x3FFFFE00, s16;
	v2 =	vld [tilespmem:s15+$0x300]  }
0x6a: {  	s31 =	sand.u32 $0x7, s11;
	s14 =	sor.u32 s14, s16;
	v3 =	vld [tilespmem:s15+$0x380]  }
0x6b: {  	s13 =	sshll.u32 s13, $0xC;
	s15 =	sshll.u32 s31, $0x6;
	v4 =	vld [tilespmem:s14+$0x1000]  }
0x6c: {  	v5 =	vld [tilespmem:s14+$0x1080];
	s13 =	sor.u32 s15, s13  }
0x6d: {  	v6 =	vld [tilespmem:s14+$0x1100];
	s13 =	sshrl.u32 s13, $0x2  }
0x6e: {  	v7 =	vld [tilespmem:s14+$0x1180];
	s14 =	simm.s32 $0x0;
	s15 =	simm.s32 $0x0;
	s13 =	sadd.s32 $0x1C00, s13  }
.LBB2_4:
0x6f: {  	s16 =	sand.u32 $0x70, s15;
	s17 =	sand.u32 $0x400, s14  }
0x70: {  	s16 =	sor.u32 s16, s17  }
0x71: {  	v11 =	vld [tilespmem:s16+$0x0]  }
0x72: {  	v10 =	vld [tilespmem:s16+$0x80];
	_ =	sdelay $0x1  }
0x73: {  	v9 =	vld [tilespmem:s16+$0x100];
	_ =	sdelay $0x2  }
0x74: {  	v8 =	vbroadcast v11, $0x0;
	v12 =	vbroadcast v10, $0x0  }
0x75: {  	v14 =	vbroadcast v11, $0x1;
	v15 =	vbroadcast v10, $0x1  }
0x76: {  	v16 =	vbroadcast v9, $0x0;
	v17 =	vbroadcast v9, $0x1  }
0x77: {  	v24 =	vbroadcast v11, $0x2;
	v25 =	vbroadcast v10, $0x2  }
0x78: {  	v28 =	vbroadcast v9, $0x2;
	v29 =	vbroadcast v11, $0x3  }
0x79: {  	v30 =	vbroadcast v10, $0x3;
	v32 =	vbroadcast v9, $0x3  }
0x7a: {  	v35 =	vbroadcast v11, $0x4;
	v37 =	vbroadcast v10, $0x4  }
0x7b: {  	v39 =	vbroadcast v11, $0x5;
	v40 =	vbroadcast v10, $0x5  }
0x7c: {  	v41 =	vbroadcast v9, $0x4;
	v50 =	vbroadcast v11, $0x6  }
0x7d: {  	v54 =	vbroadcast v10, $0x6;
	v55 =	vbroadcast v9, $0x6  }
0x7e: {  	v59 =	vbroadcast v11, $0x7;
	v13 =	vsub.f32 v8, v0;
	v12 =	vsub.f32 v12, v1  }
0x7f: {  	v60 =	vbroadcast v10, $0x7;
	v14 =	vsub.f32 v14, v0;
	v15 =	vsub.f32 v15, v1  }
0x80: {  	v16 =	vsub.f32 v16, v2;
	v26 =	vsub.f32 v24, v0;
	v24 =	vbroadcast v10, $0x8  }
0x81: {  	v56 =	vsub.f32 v54, v1;
	v54 =	vbroadcast v9, $0xB;
	v13 =	vmul.f32 v13, v13  }
0x82: {  	v17 =	vsub.f32 v17, v2;
	v12 =	vmul.f32 v12, v12;
	v14 =	vmul.f32 v14, v14  }
0x83: {  	v8 =	vld [tilespmem:s16+$0x180];
	v15 =	vmul.f32 v15, v15;
	v16 =	vmul.f32 v16, v16  }
0x84: {  	v17 =	vmul.f32 v17, v17;
	v13 =	vmul.f32 v13, v4  }
0x85: {  	v12 =	vmul.f32 v12, v5;
	v14 =	vmul.f32 v14, v4  }
0x86: {  	v38 =	vsub.f32 v35, v0;
	v15 =	vmul.f32 v15, v5;
	v61 =	vmul.f32 v16, v6  }
0x87: {  	v63 =	vmul.f32 v17, v6;
	v16 =	vsub.f32 v30, v1;
	v30 =	vbroadcast v11, $0x9  }
0x88: {  	v58 =	vsub.f32 v55, v2;
	v18 =	vbroadcast v8, $0x0;
	v19 =	vbroadcast v8, $0x1  }
0x89: {  	v31 =	vbroadcast v8, $0x2;
	v34 =	vbroadcast v8, $0x3;
	v12 =	vadd.f32 v12, v13  }
0x8a: {  	v35 =	vbroadcast v8, $0x8;
	v14 =	vadd.f32 v15, v14;
	v15 =	vsub.f32 v29, v0  }
0x8b: {  	v55 =	vbroadcast v8, $0xB;
	v18 =	vsub.f32 v18, v3;
	v19 =	vsub.f32 v19, v3  }
0x8c: {  	v33 =	vmul.f32 v16, v16;
	v17 =	vsub.f32 v31, v3;
	v16 =	vsub.f32 v34, v3  }
0x8d: {  	v34 =	vbroadcast v9, $0x9;
	v12 =	vadd.f32 v61, v12;
	v15 =	vmul.f32 v15, v15  }
0x8e: {  	v14 =	vadd.f32 v63, v14;
	v61 =	vbroadcast v8, $0x6;
	v63 =	vbroadcast v8, $0x7  }
0x8f: {  	v62 =	vmul.f32 v18, v18;
	v20 =	vmul.f32 v19, v19  }
0x90: {  	v17 =	vmul.f32 v17, v17;
	v36 =	vmul.f32 v16, v16  }
0x91: {  	v18 =	vsub.f32 v32, v2;
	v32 =	vbroadcast v10, $0x9;
	v15 =	vmul.f32 v15, v4  }
0x92: {  	v16 =	vsub.f32 v37, v1;
	v21 =	vmul.f32 v62, v7;
	v22 =	vmul.f32 v20, v7  }
0x93: {  	v19 =	vsub.f32 v41, v2;
	v18 =	vmul.f32 v18, v18;
	v17 =	vmul.f32 v17, v7  }
0x94: {  	v16 =	vmul.f32 v16, v16;
	v20 =	vbroadcast v9, $0x5  }
0x95: {  	v19 =	vmul.f32 v19, v19;
	v62 =	vbroadcast v9, $0x7  }
0x96: {  	v12 =	vadd.f32 v21, v12;
	v23 =	vadd.f32 v22, v14;
	v18 =	vmul.f32 v18, v6  }
0x97: {  	v14 =	vsub.f32 v28, v2;
	v16 =	vmul.f32 v16, v5;
	v21 =	vbroadcast v8, $0x4  }
0x98: {  	v20 =	vsub.f32 v20, v2;
	v22 =	vbroadcast v8, $0x5;
	v42 =	vmul.f32 v19, v6  }
0x99: {  	v19 =	vsub.f32 v63, v3;
	v63 =	vbroadcast v11, $0xD;
	v12 =	vmul.f32 $1.442695020e+00, v12  }
0x9a: {  	v28 =	vsub.f32 v24, v1;
	v13 =	vmul.f32 $1.442695020e+00, v23;
	v14 =	vmul.f32 v14, v14  }
0x9b: {  	v20 =	vmul.f32 v20, v20;
	v23 =	vmul.f32 v19, v19  }
0x9c: {  	v21 =	vsub.f32 v21, v3;
	v31 =	vmul.f32 v28, v28;
	(erf) = vpow2.f32 v12  }
0x9d: {  	v22 =	vsub.f32 v22, v3;
	v12 =	vmul.f32 v26, v26;
	v14 =	vmul.f32 v14, v6  }
0x9e: {  	v19 =	vsub.f32 v34, v2;
	v43 =	vmul.f32 v21, v21;
	v44 =	vmul.f32 v20, v6  }
0x9f: {  	v27 =	vsub.f32 v25, v1;
	v45 =	vmul.f32 v22, v22;
	v22 =	vbroadcast v11, $0x8  }
0xa0: {  	v20 =	vsub.f32 v35, v3;
	v19 =	vmul.f32 v19, v19;
	v35 =	vbroadcast v10, $0xE  }
0xa1: {  	(erf) = vpow2.f32 v13;
	v13 =	vmul.f32 v27, v27  }
0xa2: {  	v27 =	vmul.f32 v23, v7;
	v12 =	vmul.f32 v12, v4  }
0xa3: {  	v47 =	vmul.f32 v43, v7;
	v26 =	vsub.f32 v22, v0;
	v13 =	vmul.f32 v13, v5  }
0xa4: {  	v49 =	vmul.f32 v45, v7;
	v45 =	vbroadcast v11, $0xA  }
0xa5: {  	v29 =	vmul.f32 v26, v26;
	v12 =	vadd.f32 v13, v12;
	v13 =	vmul.f32 v33, v5  }
0xa6: {  	v26 =	vbroadcast v8, $0xC;
	v33 =	vbroadcast v9, $0x8  }
0xa7: {  	v12 =	vadd.f32 v14, v12;
	v13 =	vadd.f32 v13, v15;
	v14 =	vmul.f32 v36, v7  }
0xa8: {  	v15 =	vmul.f32 v38, v38;
	v36 =	vbroadcast v8, $0x9  }
0xa9: {  	v38 =	vmul.f32 v20, v20;
	v12 =	vadd.f32 v17, v12;
	v13 =	vadd.f32 v18, v13  }
0xaa: {  	v15 =	vmul.f32 v15, v4;
	v17 =	vsub.f32 v39, v0;
	v18 =	vsub.f32 v40, v1  }
0xab: {  	v39 =	vmul.f32 v19, v6;
	v41 =	vmul.f32 v38, v7  }
0xac: {  	v19 =	vsub.f32 v55, v3;
	v17 =	vmul.f32 v17, v17;
	v18 =	vmul.f32 v18, v18  }
0xad: {  	v15 =	vadd.f32 v16, v15;
	v13 =	vadd.f32 v14, v13;
	v12 =	vmul.f32 $1.442695020e+00, v12  }
0xae: {  	v16 =	vsub.f32 v60, v1;
	v19 =	vmul.f32 v19, v19;
	v17 =	vmul.f32 v17, v4  }
0xaf: {  	v18 =	vmul.f32 v18, v5;
	v13 =	vmul.f32 $1.442695020e+00, v13  }
0xb0: {  	v46 =	vadd.f32 v42, v15;
	(erf) = vpow2.f32 v12;
	v16 =	vmul.f32 v16, v16  }
0xb1: {  	v15 =	vsub.f32 v59, v0;
	v59 =	vbroadcast v9, $0xC;
	v19 =	vmul.f32 v19, v7  }
0xb2: {  	v53 =	vsub.f32 v50, v0;
	(erf) = vpow2.f32 v13;
	v13 =	vmul.f32 v56, v56  }
0xb3: {  	v14 =	vadd.f32 v47, v46;
	v15 =	vmul.f32 v15, v15;
	v16 =	vmul.f32 v16, v5  }
0xb4: {  	v17 =	vadd.f32 v18, v17;
	v46 =	vbroadcast v10, $0xA;
	v47 =	vbroadcast v9, $0xA  }
0xb5: {  	v18 =	vsub.f32 v62, v2;
	v56 =	vbroadcast v11, $0xC;
	v52 =	vmul.f32 $1.442695020e+00, v14  }
0xb6: {  	v48 =	vadd.f32 v44, v17;
	v14 =	vmul.f32 v53, v53;
	v13 =	vmul.f32 v13, v5  }
0xb7: {  	v17 =	vsub.f32 v61, v3;
	v18 =	vmul.f32 v18, v18;
	v15 =	vmul.f32 v15, v4  }
0xb8: {  	v53 =	vbroadcast v10, $0xB;
	v20 =	vsub.f32 v56, v0;
	(erf) = vpow2.f32 v52  }
0xb9: {  	v51 =	vadd.f32 v49, v48;
	v57 =	vmul.f32 v14, v4;
	v14 =	vmul.f32 v58, v58  }
0xba: {  	v17 =	vmul.f32 v17, v17;
	v21 =	vmul.f32 v18, v6;
	v15 =	vadd.f32 v16, v15  }
0xbb: {  	v16 =	vsub.f32 v32, v1;
	v52 =	vbroadcast v11, $0xB;
	v58 =	vmul.f32 v20, v20  }
0xbc: {  	v18 =	vsub.f32 v33, v2;
	v33 =	vbroadcast v11, $0xE;
	v11 =	vbroadcast v11, $0xF  }
0xbd: {  	v12 =	vmul.f32 $1.442695020e+00, v51;
	v14 =	vmul.f32 v14, v6  }
0xbe: {  	v20 =	vsub.f32 v59, v2;
	v25 =	vmul.f32 v17, v7;
	v16 =	vmul.f32 v16, v16  }
0xbf: {  	v50 =	vsub.f32 v47, v2;
	v18 =	vmul.f32 v18, v18;
	v51 =	vbroadcast v8, $0xA  }
0xc0: {  	v17 =	vsub.f32 v30, v0;
	v24 =	vmul.f32 v20, v20;
	(erf) = vpow2.f32 v12  }
0xc1: {  	v12 =	vadd.f32 v13, v57;
	v13 =	vadd.f32 v21, v15;
	v15 =	vmul.f32 v31, v5  }
0xc2: {  	v11 =	vsub.f32 v11, v0;
	v17 =	vmul.f32 v17, v17;
	v16 =	vmul.f32 v16, v5  }
0xc3: {  	v21 =	vsub.f32 v36, v3;
	v37 =	vmul.f32 v18, v6;
	v18 =	vsub.f32 v54, v2  }
0xc4: {  	v57 =	vbroadcast v10, $0xC;
	v11 =	vmul.f32 v11, v11;
	v12 =	vadd.f32 v14, v12  }
0xc5: {  	v13 =	vadd.f32 v27, v13;
	v14 =	vmul.f32 v29, v4;
	v17 =	vmul.f32 v17, v4  }
0xc6: {  	v40 =	vmul.f32 v21, v21;
	v18 =	vmul.f32 v18, v18;
	v61 =	vsub.f32 v57, v1  }
0xc7: {  	v27 =	vbroadcast v9, $0xD;
	v21 =	vsub.f32 v26, v3;
	v29 =	vbroadcast v8, $0xD  }
0xc8: {  	v11 =	vmul.f32 v11, v4;
	v12 =	vadd.f32 v25, v12;
	v14 =	vadd.f32 v15, v14  }
0xc9: {  	v16 =	vadd.f32 v16, v17;
	v13 =	vmul.f32 $1.442695020e+00, v13;
	v42 =	vmul.f32 v40, v7  }
0xca: {  	v15 =	vsub.f32 v51, v3;
	v17 =	vsub.f32 v53, v1;
	v60 =	vmul.f32 v18, v6  }
0xcb: {  	v62 =	vmul.f32 v61, v61;
	v25 =	vbroadcast v10, $0xD;
	v18 =	vsub.f32 v63, v0  }
0xcc: {  	v22 =	vsub.f32 v27, v2;
	v30 =	vmul.f32 v21, v21;
	v10 =	vbroadcast v10, $0xF  }
0xcd: {  	v12 =	vmul.f32 $1.442695020e+00, v12;
	v14 =	vadd.f32 v37, v14;
	v15 =	vmul.f32 v15, v15  }
0xce: {  	v16 =	vadd.f32 v39, v16;
	v17 =	vmul.f32 v17, v17;
	v18 =	vmul.f32 v18, v18  }
0xcf: {  	v20 =	vsub.f32 v25, v1;
	v31 =	vmul.f32 v22, v22;
	v36 =	vmul.f32 v30, v7  }
0xd0: {  	v37 =	vsub.f32 v33, v0;
	(erf) = vpow2.f32 v12;
	v15 =	vmul.f32 v15, v7  }
0xd1: {  	v10 =	vsub.f32 v10, v1;
	v17 =	vmul.f32 v17, v5;
	v28 =	vmul.f32 v20, v20  }
0xd2: {  	v43 =	vadd.f32 v41, v14;
	v18 =	vmul.f32 v18, v4;
	v32 =	vmul.f32 v31, v6  }
0xd3: {  	v44 =	vadd.f32 v42, v16;
	v40 =	vmul.f32 v37, v37;
	v42 =	vbroadcast v9, $0xE  }
0xd4: {  	v14 =	vsub.f32 v45, v0;
	v9 =	vbroadcast v9, $0xF;
	v10 =	vmul.f32 v10, v10  }
0xd5: {  	v16 =	vsub.f32 v52, v0;
	(erf) = vpow2.f32 v13;
	v12 =	vmul.f32 $1.442695020e+00, v43  }
0xd6: {  	v48 =	vsub.f32 v46, v1;
	v13 =	vmul.f32 $1.442695020e+00, v44;
	v49 =	vmul.f32 v14, v14  }
0xd7: {  	v14 =	vmul.f32 v50, v50;
	v16 =	vmul.f32 v16, v16  }
0xd8: {  	(erf) = vpow2.f32 v12;
	v12 =	vmul.f32 v48, v48  }
0xd9: {  	v39 =	vsub.f32 v35, v1;
	v43 =	vbroadcast v8, $0xE;
	(erf) = vpow2.f32 v13  }
0xda: {  	v20 =	vsub.f32 v29, v3;
	v13 =	vmul.f32 v49, v4;
	v12 =	vmul.f32 v12, v5  }
0xdb: {  	v9 =	vsub.f32 v9, v2;
	v8 =	vbroadcast v8, $0xF;
	v16 =	vmul.f32 v16, v4  }
0xdc: {  	v10 =	vmul.f32 v10, v5;
	v14 =	vmul.f32 v14, v6;
	v12 =	vadd.f32 v12, v13  }
0xdd: {  	v41 =	vmul.f32 v39, v39;
	v8 =	vsub.f32 v8, v3;
	v16 =	vadd.f32 v17, v16  }
0xde: {  	v9 =	vmul.f32 v9, v9;
	v10 =	vadd.f32 v10, v11;
	v12 =	vadd.f32 v14, v12  }
0xdf: {  	v13 =	vmul.f32 v58, v4;
	v16 =	vadd.f32 v60, v16;
	v14 =	vmul.f32 v62, v5  }
0xe0: {  	v17 =	vmul.f32 v24, v6;
	v12 =	vadd.f32 v15, v12;
	v15 =	vmul.f32 v28, v5  }
0xe1: {  	v9 =	vmul.f32 v9, v6;
	v16 =	vadd.f32 v19, v16;
	v13 =	vadd.f32 v14, v13  }
0xe2: {  	v8 =	vmul.f32 v8, v8;
	v15 =	vadd.f32 v15, v18;
	v18 =	vsub.f32 v42, v2  }
0xe3: {  	v19 =	vsub.f32 v43, v3;
	v13 =	vadd.f32 v17, v13;
	v17 =	vmul.f32 v40, v4  }
0xe4: {  	v14 =	vadd.f32 v32, v15;
	v15 =	vmul.f32 v41, v5;
	v18 =	vmul.f32 v18, v18  }
0xe5: {  	v34 =	vmul.f32 v20, v20;
	v9 =	vadd.f32 v9, v10;
	v8 =	vmul.f32 v8, v7  }
0xe6: {  	v45 =	vmul.f32 v19, v19;
	v15 =	vadd.f32 v15, v17;
	v44 =	vmul.f32 v18, v6  }
0xe7: {  	v38 =	vmul.f32 v34, v7;
	v8 =	vadd.f32 v8, v9;
	v46 =	vmul.f32 $1.442695020e+00, v12  }
0xe8: {  	v48 =	vmul.f32 v45, v7;
	v13 =	vadd.f32 v36, v13;
	v47 =	vadd.f32 v44, v15  }
0xe9: {  	v49 =	vpop (erf);
	v50 =	vmul.f32 $1.442695020e+00, v16;
	v8 =	vmul.f32 $1.442695020e+00, v8;
	v14 =	vadd.f32 v38, v14  }
0xea: {  	[tilespmem:s13+$0xFFFFF800] =	vst v49;
	v51 =	vpop (erf);
	(erf) = vpow2.f32 v46;
	v53 =	vmul.f32 $1.442695020e+00, v13;
	v52 =	vadd.f32 v48, v47  }
0xeb: {  	[tilespmem:s13+$0xFFFFF880] =	vst v51;
	v54 =	vpop (erf);
	(erf) = vpow2.f32 v50;
	v55 =	vmul.f32 $1.442695020e+00, v14  }
0xec: {  	[tilespmem:s13+$0xFFFFF900] =	vst v54;
	v56 =	vpop (erf);
	(erf) = vpow2.f32 v53;
	v11 =	vmul.f32 $1.442695020e+00, v52  }
0xed: {  	[tilespmem:s13+$0xFFFFF980] =	vst v56;
	v57 =	vpop (erf);
	(erf) = vpow2.f32 v55  }
0xee: {  	[tilespmem:s13+$0xFFFFFA00] =	vst v57;
	v58 =	vpop (erf);
	(erf) = vpow2.f32 v11  }
0xef: {  	[tilespmem:s13+$0xFFFFFA80] =	vst v58;
	v59 =	vpop (erf);
	(erf) = vpow2.f32 v8  }
0xf0: {  	[tilespmem:s13+$0xFFFFFB00] =	vst v59;
	v8 =	vpop (erf)  }
0xf1: {  	v60 =	vpop (erf);
	[tilespmem:s13+$0xFFFFFB80] =	vst v8  }
0xf2: {  	v8 =	vpop (erf);
	[tilespmem:s13+$0x0] =	vst v60  }
0xf3: {  	v61 =	vpop (erf);
	[tilespmem:s13+$0x80] =	vst v8  }
0xf4: {  	p1 =	sne.s32 s15, $0xF0;
	v8 =	vpop (erf);
	[tilespmem:s13+$0x100] =	vst v61  }
.Ltmp0:
0xf5: {  	v62 =	vpop (erf);
	[tilespmem:s13+$0x180] =	vst v8;
	(pc) =	sbr.rel @p1 .LBB2_4-.Ltmp0, $4  }
0xf6: {  	v8 =	vpop (erf);
	[tilespmem:s13+$0x200] =	vst v62  }
0xf7: {  	[tilespmem:s13+$0x280] =	vst v8;
	v63 =	vpop (erf)  }
0xf8: {  	[tilespmem:s13+$0x300] =	vst v63;
	v8 =	vpop (erf)  }
0xf9: {  	s14 =	sadd.s32 $0x80, s14;
	s15 =	sadd.s32 $0x10, s15;
	[tilespmem:s13+$0x380] =	vst v8;
	s13 =	sadd.s32 $0x1000, s13  }
0xfa: {  	s12 =	sadd.s32 $0x1, s12  }
0xfb: {  	p1 =	sne.s32 s12, $0x10  }
.Ltmp1:
0xfc: {  	_ = 	snop;
	(pc) =	sbr.rel @p1 .LBB2_3-.Ltmp1, $2  }
0xfd: {  	_ =	sdelay $0x2  }
0xfe: {  	s11 =	sadd.s32 $0x1, s11  }
0xff: {  	s10 =	sshll.u32 s10, $0xD  }
0x100: {  	s10 =	sadd.s32 s1, s10  }
0x101: {  	[hbm4b:s10+s2] =	stream.linear.scatter [tilespmem:s8], [sflag:$0x1], $0x10000, $0x38;
	[tilespmem:$0x11400] =	vst v63  }
.Ltmp2:
0x102: {  	_ = 	snop;
	(pc) =	sbr.rel @p0 .LBB2_2-.Ltmp2, $4  }
0x103: {  	s10 =	simm.s32 $0x1  }
0x104: {  	_ =	swait.ge [sflag:s10], $0x10000  }
0x105: {  	[sflag:s10] =	ssyncset.done $0x0  }
0x106: {  	p1 =	por $0x0, $0x0;
	[sflag:s10] =	ssyncadd.s32 $0xFFFF0000  }
0x107: {  	s9 =	sadd.s32 $0x1, s9  }
0x108: {  	p0 =	sne.s32 s9, s6  }
.Ltmp3:
0x109: {  	_ = 	snop;
	(pc) =	sbr.rel @p0 .LBB2_1-.Ltmp3, $1  }
0x10a: {  	_ =	sdelay $0x3  }
0x10b: {  	_ =	sfence.sel $0x180000  }
0x10c: {  	[bflag:$0x0] =	sbarrier.arrive $0xFFFF  }
0x10d: {  	p0 =	sne.s32 s3, $0x0;
	_ =	strace $0x90000047  }
0x10e: {  	s0 =	sadd.s32 @!p0 $0x100000, s0;
	[bflag:$0x2] =	sbarrier.arrive $0xFFFF  }
0x10f: {  	[sflag:s0] =	ssyncadd.tile.s32 @!p0 $0x1;
	_ =	shalt  }
.Lfunc_end2:
_tile_overlayer_lowered:
.L_overlay_start_2:
0x110: {  	(tag) =	ssettag $0x2  }
0x111: {  	s0 =	rddreg [dreg:$0x0];
	s2 =	stileid.u32  }
0x112: {  	s1 =	rddreg [dreg:$0x1];
	p0 =	sne.s32 s2, $0x0  }
0x113: {  	s3 =	rddreg [dreg:$0x2];
	[bflag:$0x3] =	sbarrier.arrive $0xFFFF;
	s2 =	simm.s32 @!p0 $0x1C01  }
0x114: {  	[timem:s3], [sflag:s2] =	dma.local @!p0 [hbm:s0], s1  }
0x115: {  	s0 =	simm.s32 @!p0 $0x1  }
0x116: {  	_ =	swait.ge @!p0 [sflag:s0], s1  }
0x117: {  	s1 =	ssub.s32 @!p0 $0x0, s1;
	[sflag:s0] =	ssyncset.done @!p0 $0x0  }
0x118: {  	[sflag:s0] =	ssyncadd.s32 @!p0 s1  }
0x119: {  	[bflag:$0x3] =	sbarrier.arrive $0xFFFF  }
0x11a: {  	_ =	shalt  }

</sc_bundles>
